<compile_context>
chip_gen: v7x
topology: tpu7x:2x2x1
jax: 0.10.2.dev20260603
libtpu: 0.0.44.dev20260713+nightly
codegen_flags: <defaults>
</compile_context>

<pallas_src>
import math

import jax
import jax.numpy as jnp
from jax import lax
from jax.experimental import pallas as pl
from jax.experimental.pallas import tpu as pltpu
from jax.experimental.pallas import tpu_sc as plsc

N = 10000
E = 320000
D = 128
H = 100
HP = 112
OW = 128
NC = 2
NS = 16
NW = NC * NS
EPW = E // NW
CB = 200
NPAD = 10240
ROWS_PER_TILE = NPAD // NS

_INV_SQRT2 = 1.0 / math.sqrt(2.0)


def _gelu_exact(z):
    return z * 0.5 * (1.0 + lax.erf(z * _INV_SQRT2))


def _prepare_body(x_ref, g_ref, b_ref, m_ref, v_ref, w_ref, bias_ref, y_ref):
    x = x_ref[...]
    xb = (x - m_ref[...]) / jnp.sqrt(v_ref[...] + 1e-3) * g_ref[...] + b_ref[...]
    z = jnp.dot(xb, w_ref[...], preferred_element_type=jnp.float32) + bias_ref[...]
    y = _gelu_exact(z)
    col = lax.broadcasted_iota(jnp.int32, y.shape, 1)
    y_ref[...] = jnp.where(col == HP - 1, 1.0, y)


def _prepare(x, g, b, m, v, w1p, b1p):
    return pl.pallas_call(
        _prepare_body,
        out_shape=jax.ShapeDtypeStruct((N, HP), jnp.float32),
    )(x, g, b, m, v, w1p, b1p)


def _sc_agg_body(y_hbm, edge_hbm, out_hbm,
                 srcA, srcB, srcC, srcD, dstA, dstB, dstC, dstD,
                 rows0_v, rows1_v, acc_sh,
                 sem0, sem1, is0, is1, is2, is3):
    cid = lax.axis_index("c")
    sid = lax.axis_index("s")
    wid = sid * NC + cid
    ebase = wid * EPW
    nsteps = EPW // CB
    last = nsteps - 1
    rows = (rows0_v, rows1_v)
    gsem = (sem0, sem1)
    isem = (is0, is1, is2, is3)
    srcs = (srcA, srcB, srcC, srcD)
    dsts = (dstA, dstB, dstC, dstD)

    zbase = sid * ROWS_PER_TILE
    zrow = ROWS_PER_TILE // 4
    zval = jnp.zeros((16,), jnp.float32)

    def zstore(i, carry):
        for j in range(HP // 16):
            rows0_v[i, pl.ds(j * 16, 16)] = zval
        return carry

    lax.fori_loop(0, zrow, zstore, 0)
    for q in range(4):
        pltpu.sync_copy(rows0_v.at[pl.ds(0, zrow)],
                        acc_sh.at[pl.ds(zbase + q * zrow, zrow)])
    plsc.subcore_barrier()

    def idx_load_sync(c, j):
        pltpu.sync_copy(edge_hbm.at[1, pl.ds(ebase + c * CB, CB)], srcs[j])
        pltpu.sync_copy(edge_hbm.at[0, pl.ds(ebase + c * CB, CB)], dsts[j])

    def idx_prefetch(c, j):
        cc = lax.min(c, last)
        pltpu.async_copy(edge_hbm.at[1, pl.ds(ebase + cc * CB, CB)],
                         srcs[j], isem[j])
        pltpu.async_copy(edge_hbm.at[0, pl.ds(ebase + cc * CB, CB)],
                         dsts[j], isem[j])

    def idx_wait(j):
        for _ in range(2):
            pltpu.make_async_copy(edge_hbm.at[0, pl.ds(0, CB)],
                                  dsts[j], isem[j]).wait()

    def gather(j, b):
        pltpu.async_copy(y_hbm.at[srcs[j]], rows[b], gsem[b])

    def gwait(b):
        pltpu.make_async_copy(y_hbm.at[srcA], rows[b], gsem[b]).wait()

    def scatter(j, b):
        pltpu.sync_copy(rows[b], acc_sh.at[dsts[j]], add=True)

    idx_load_sync(0, 0)
    idx_load_sync(1, 1)
    gather(0, 0)
    gather(1, 1)
    idx_prefetch(2, 2)
    idx_prefetch(3, 3)

    def step(k, carry):
        c = 4 * k
        for j in range(4):
            b = j % 2
            gwait(b)
            scatter(j, b)
            idx_prefetch(c + j + 4, j)
            idx_wait((j + 2) % 4)
            gather((j + 2) % 4, b)
        return carry

    lax.fori_loop(0, nsteps // 4, step, 0)
    gwait(0)
    scatter(0, 0)
    gwait(1)
    scatter(1, 1)
    for j in (2, 3):
        idx_wait(j)
    plsc.subcore_barrier()

    pltpu.sync_copy(acc_sh.at[pl.ds(zbase, ROWS_PER_TILE)],
                    out_hbm.at[pl.ds(cid * NPAD + zbase, ROWS_PER_TILE)])


def _sc_aggregate(y, edge_index):
    mesh = plsc.VectorSubcoreMesh(core_axis_name="c", subcore_axis_name="s")
    kern = pl.kernel(
        _sc_agg_body,
        out_type=jax.ShapeDtypeStruct((NC * NPAD, HP), jnp.float32),
        mesh=mesh,
        compiler_params=pltpu.CompilerParams(use_tc_tiling_on_sc=False),
        scratch_types=[
            pltpu.VMEM((CB,), jnp.int32),
            pltpu.VMEM((CB,), jnp.int32),
            pltpu.VMEM((CB,), jnp.int32),
            pltpu.VMEM((CB,), jnp.int32),
            pltpu.VMEM((CB,), jnp.int32),
            pltpu.VMEM((CB,), jnp.int32),
            pltpu.VMEM((CB,), jnp.int32),
            pltpu.VMEM((CB,), jnp.int32),
            pltpu.VMEM((CB, HP), jnp.float32),
            pltpu.VMEM((CB, HP), jnp.float32),
            pltpu.VMEM_SHARED((NPAD, HP), jnp.float32),
            pltpu.SemaphoreType.DMA,
            pltpu.SemaphoreType.DMA,
            pltpu.SemaphoreType.DMA,
            pltpu.SemaphoreType.DMA,
            pltpu.SemaphoreType.DMA,
            pltpu.SemaphoreType.DMA,
        ],
    )
    return kern(y, edge_index)


def _update_body(x_ref, p_ref,
                 gx_ref, bx_ref, mx_ref, vx_ref,
                 ga_ref, ba_ref, ma_ref, va_ref,
                 w2a_ref, w2b_ref, b2_ref, out_ref):
    acc = p_ref[pl.ds(0, N)] + p_ref[pl.ds(NPAD, N)]
    cnt = acc[:, HP - 1:HP]
    mean = jnp.where(cnt > 0.0, acc / jnp.maximum(cnt, 1.0), 0.0)
    hx = (x_ref[...] - mx_ref[...]) / jnp.sqrt(vx_ref[...] + 1e-3) * gx_ref[...] + bx_ref[...]
    ha = (mean - ma_ref[...]) / jnp.sqrt(va_ref[...] + 1e-3) * ga_ref[...] + ba_ref[...]
    z = (jnp.dot(hx, w2a_ref[...], preferred_element_type=jnp.float32)
         + jnp.dot(ha, w2b_ref[...], preferred_element_type=jnp.float32)
         + b2_ref[...])
    out_ref[...] = _gelu_exact(z)[:, :H]


def _update(x, partials, gx, bx, mx, vx, ga, ba, ma, va, w2a, w2b, b2p):
    return pl.pallas_call(
        _update_body,
        out_shape=jax.ShapeDtypeStruct((N, H), jnp.float32),
    )(x, partials, gx, bx, mx, vx, ga, ba, ma, va, w2a, w2b, b2p)


@jax.jit
def kernel(x, edge_index, bn1_gamma, bn1_beta, bn1_mean, bn1_var, W1, b1,
           bn2_gamma, bn2_beta, bn2_mean, bn2_var, W2, b2):
    f32 = jnp.float32
    row = lambda a: a.reshape(1, -1).astype(f32)

    w1p = jnp.zeros((D, HP), f32).at[:, :H].set(W1)
    b1p = jnp.zeros((1, HP), f32).at[0, :H].set(b1)
    y = _prepare(x, row(bn1_gamma), row(bn1_beta), row(bn1_mean), row(bn1_var),
                 w1p, b1p)

    partials = _sc_aggregate(y, edge_index)

    w2a = jnp.zeros((D, OW), f32).at[:, :H].set(W2[:D])
    w2b = jnp.zeros((HP, OW), f32).at[:H, :H].set(W2[D:])
    b2p = jnp.zeros((1, OW), f32).at[0, :H].set(b2)
    pad = lambda a, fill: jnp.full((1, HP), fill, f32).at[0, :H].set(a[D:])
    ga = pad(bn2_gamma, 0.0)
    ba = pad(bn2_beta, 0.0)
    ma = pad(bn2_mean, 0.0)
    va = pad(bn2_var, 1.0)

    return _update(x, partials,
                   row(bn2_gamma[:D]), row(bn2_beta[:D]),
                   row(bn2_mean[:D]), row(bn2_var[:D]),
                   ga, ba, ma, va, w2a, w2b, b2p)

# --- scband reference (transcript-rebuilt; emitter-appended) ---
"""Pipeline reference for scband-graph-conv-layer-74174085201985 (READ-ONLY COPY).

The authoritative reference and input builder live on the scoring server;
editing this copy changes nothing except your own understanding.
"""

import jax, jax.numpy as jnp
import numpy as np

N = 10000
E = 320000
D = 128
H = 100


def _bn(h, g, b, m, v):
    # Keras BatchNormalization in inference mode, eps=1e-3
    return (h - m) / jnp.sqrt(v + 1e-3) * g + b


def setup_inputs(seed: int = 0) -> dict:
    key = jax.random.key(seed)
    ks = jax.random.split(key, 6)
    x = jax.random.normal(ks[0], (N, D), dtype=jnp.float32)
    edge_index = jax.random.randint(ks[1], (2, E), 0, N, dtype=jnp.int32)
    W1 = jax.random.normal(ks[2], (D, H), dtype=jnp.float32) * 0.05
    b1 = jnp.zeros((H,), jnp.float32)
    W2 = jax.random.normal(ks[3], (D + H, H), dtype=jnp.float32) * 0.05
    b2 = jnp.zeros((H,), jnp.float32)
    bn1_gamma = jnp.ones((D,), jnp.float32)
    bn1_beta = jnp.zeros((D,), jnp.float32)
    bn1_mean = jnp.zeros((D,), jnp.float32)
    bn1_var = jnp.ones((D,), jnp.float32)
    bn2_gamma = jnp.ones((D + H,), jnp.float32)
    bn2_beta = jnp.zeros((D + H,), jnp.float32)
    bn2_mean = jnp.zeros((D + H,), jnp.float32)
    bn2_var = jnp.ones((D + H,), jnp.float32)
    return {"x": x, "edge_index": edge_index,
            "bn1_gamma": bn1_gamma, "bn1_beta": bn1_beta, "bn1_mean": bn1_mean, "bn1_var": bn1_var,
            "W1": W1, "b1": b1,
            "bn2_gamma": bn2_gamma, "bn2_beta": bn2_beta, "bn2_mean": bn2_mean, "bn2_var": bn2_var,
            "W2": W2, "b2": b2}


def reference(x, edge_index, bn1_gamma, bn1_beta, bn1_mean, bn1_var, W1, b1,
              bn2_gamma, bn2_beta, bn2_mean, bn2_var, W2, b2):
    node_idx = edge_index[0]
    nbr_idx = edge_index[1]
    # gather neighbour representations
    nbr = jnp.take(x, nbr_idx, axis=0)
    # ffn_prepare: BN (inference) -> Dropout (identity at inference) -> Dense gelu (exact)
    msgs = jax.nn.gelu(_bn(nbr, bn1_gamma, bn1_beta, bn1_mean, bn1_var) @ W1 + b1, approximate=False)
    # unsorted_segment_mean over destination node indices (empty segments -> 0, matching TF)
    seg_sum = jax.ops.segment_sum(msgs, node_idx, num_segments=N)
    cnt = jax.ops.segment_sum(jnp.ones((E, 1), jnp.float32), node_idx, num_segments=N)
    agg = jnp.where(cnt > 0, seg_sum / jnp.maximum(cnt, 1.0), 0.0)
    # update: concat -> BN -> Dense gelu
    h = jnp.concatenate([x, agg], axis=1)
    out = jax.nn.gelu(_bn(h, bn2_gamma, bn2_beta, bn2_mean, bn2_var) @ W2 + b2, approximate=False)
    return out

if __name__ == "__main__":
    import jax
    _d = setup_inputs()
    print(jax.jit(kernel)(*tuple(_d.values())))

</pallas_src>

<mosaic_0001>
#map = affine_map<(d0, d1) -> (0, 0)>
module attributes {stable_mosaic.version = 14 : i64} {
  func.func @_sc_agg_body(%arg0: i32, %arg1: i32, %arg2: memref<10000x112xf32, #tpu.memory_space<hbm>>, %arg3: memref<2x320000xi32, #tpu.memory_space<hbm>>, %arg4: memref<20480x112xf32, #tpu.memory_space<hbm>>, %arg5: memref<200xi32, #tpu.memory_space<vmem>>, %arg6: memref<200xi32, #tpu.memory_space<vmem>>, %arg7: memref<200xi32, #tpu.memory_space<vmem>>, %arg8: memref<200xi32, #tpu.memory_space<vmem>>, %arg9: memref<200xi32, #tpu.memory_space<vmem>>, %arg10: memref<200xi32, #tpu.memory_space<vmem>>, %arg11: memref<200xi32, #tpu.memory_space<vmem>>, %arg12: memref<200xi32, #tpu.memory_space<vmem>>, %arg13: memref<200x112xf32, #tpu.memory_space<vmem>>, %arg14: memref<200x112xf32, #tpu.memory_space<vmem>>, %arg15: memref<10240x112xf32, #tpu.memory_space<vmem_shared>>, %arg16: memref<!tpu.dma_semaphore, #tpu.memory_space<semaphore_mem>>, %arg17: memref<!tpu.dma_semaphore, #tpu.memory_space<semaphore_mem>>, %arg18: memref<!tpu.dma_semaphore, #tpu.memory_space<semaphore_mem>>, %arg19: memref<!tpu.dma_semaphore, #tpu.memory_space<semaphore_mem>>, %arg20: memref<!tpu.dma_semaphore, #tpu.memory_space<semaphore_mem>>, %arg21: memref<!tpu.dma_semaphore, #tpu.memory_space<semaphore_mem>>) attributes {dimension_semantics = [#tpu.dimension_semantics<core_parallel>, #tpu.dimension_semantics<subcore_parallel>], iteration_bounds = array<i64: 2, 16>, scalar_prefetch = 0 : i64, scratch_operands = 17 : i64, tpu.core_type = #tpu.core_type<sc_vector_subcore>, window_params = [{transform_indices = #map}, {transform_indices = #map}, {transform_indices = #map}]} {
    %mul3A = arith.constant 2 : i32
    %mul3A_0 = arith.muli %arg1, %mul3A : i32
    %add3A = arith.addi %mul3A_0, %arg0 : i32
    %mul3A_1 = arith.constant 10000 : i32
    %mul3A_2 = arith.muli %add3A, %mul3A_1 : i32
    %mul3A_3 = arith.constant 640 : i32
    %mul3A_4 = arith.muli %arg1, %mul3A_3 : i32
    %broadcast_in_dim3A = arith.constant 0.000000e+00 : f32
    %broadcast_in_dim3A_5 = vector.broadcast %broadcast_in_dim3A : f32 to vector<16xf32>
    %scan3A = arith.constant 0 : i32
    %scan3A_6 = arith.constant 0 : i32
    %scan3A_7 = arith.constant 160 : i32
    %scan3A_8 = arith.addi %scan3A_6, %scan3A_7 : i32
    %scan3A_9 = arith.constant 1 : i32
    scf.for %scan3A_115 = %scan3A_6 to %scan3A_8 step %scan3A_9  : i32 {
      %swap3A = arith.index_cast %scan3A_115 : i32 to index
      %swap3A_116 = arith.constant 0 : index
      %swap3A_117 = tpu.vector_load %arg13[%swap3A, %swap3A_116] {strides = array<i32>} : memref<200x112xf32, #tpu.memory_space<vmem>>, vector<1x16xf32>,
      %swap3A_118 = vector.shape_cast %swap3A_117 : vector<1x16xf32> to vector<16xf32>
      %swap3A_119 = vector.shape_cast %broadcast_in_dim3A_5 : vector<16xf32> to vector<1x16xf32>
      tpu.vector_store %arg13[%swap3A, %swap3A_116], %swap3A_119 {strides = array<i32>} : memref<200x112xf32, #tpu.memory_space<vmem>>, vector<1x16xf32>,
      %swap3A_120 = arith.index_cast %scan3A_115 : i32 to index
      %swap3A_121 = arith.constant 16 : index
      %swap3A_122 = tpu.vector_load %arg13[%swap3A_120, %swap3A_121] {strides = array<i32>} : memref<200x112xf32, #tpu.memory_space<vmem>>, vector<1x16xf32>,
      %swap3A_123 = vector.shape_cast %swap3A_122 : vector<1x16xf32> to vector<16xf32>
      %swap3A_124 = vector.shape_cast %broadcast_in_dim3A_5 : vector<16xf32> to vector<1x16xf32>
      tpu.vector_store %arg13[%swap3A_120, %swap3A_121], %swap3A_124 {strides = array<i32>} : memref<200x112xf32, #tpu.memory_space<vmem>>, vector<1x16xf32>,
      %swap3A_125 = arith.index_cast %scan3A_115 : i32 to index
      %swap3A_126 = arith.constant 32 : index
      %swap3A_127 = tpu.vector_load %arg13[%swap3A_125, %swap3A_126] {strides = array<i32>} : memref<200x112xf32, #tpu.memory_space<vmem>>, vector<1x16xf32>,
      %swap3A_128 = vector.shape_cast %swap3A_127 : vector<1x16xf32> to vector<16xf32>
      %swap3A_129 = vector.shape_cast %broadcast_in_dim3A_5 : vector<16xf32> to vector<1x16xf32>
      tpu.vector_store %arg13[%swap3A_125, %swap3A_126], %swap3A_129 {strides = array<i32>} : memref<200x112xf32, #tpu.memory_space<vmem>>, vector<1x16xf32>,
      %swap3A_130 = arith.index_cast %scan3A_115 : i32 to index
      %swap3A_131 = arith.constant 48 : index
      %swap3A_132 = tpu.vector_load %arg13[%swap3A_130, %swap3A_131] {strides = array<i32>} : memref<200x112xf32, #tpu.memory_space<vmem>>, vector<1x16xf32>,
      %swap3A_133 = vector.shape_cast %swap3A_132 : vector<1x16xf32> to vector<16xf32>
      %swap3A_134 = vector.shape_cast %broadcast_in_dim3A_5 : vector<16xf32> to vector<1x16xf32>
      tpu.vector_store %arg13[%swap3A_130, %swap3A_131], %swap3A_134 {strides = array<i32>} : memref<200x112xf32, #tpu.memory_space<vmem>>, vector<1x16xf32>,
      %swap3A_135 = arith.index_cast %scan3A_115 : i32 to index
      %swap3A_136 = arith.constant 64 : index
      %swap3A_137 = tpu.vector_load %arg13[%swap3A_135, %swap3A_136] {strides = array<i32>} : memref<200x112xf32, #tpu.memory_space<vmem>>, vector<1x16xf32>,
      %swap3A_138 = vector.shape_cast %swap3A_137 : vector<1x16xf32> to vector<16xf32>
      %swap3A_139 = vector.shape_cast %broadcast_in_dim3A_5 : vector<16xf32> to vector<1x16xf32>
      tpu.vector_store %arg13[%swap3A_135, %swap3A_136], %swap3A_139 {strides = array<i32>} : memref<200x112xf32, #tpu.memory_space<vmem>>, vector<1x16xf32>,
      %swap3A_140 = arith.index_cast %scan3A_115 : i32 to index
      %swap3A_141 = arith.constant 80 : index
      %swap3A_142 = tpu.vector_load %arg13[%swap3A_140, %swap3A_141] {strides = array<i32>} : memref<200x112xf32, #tpu.memory_space<vmem>>, vector<1x16xf32>,
      %swap3A_143 = vector.shape_cast %swap3A_142 : vector<1x16xf32> to vector<16xf32>
      %swap3A_144 = vector.shape_cast %broadcast_in_dim3A_5 : vector<16xf32> to vector<1x16xf32>
      tpu.vector_store %arg13[%swap3A_140, %swap3A_141], %swap3A_144 {strides = array<i32>} : memref<200x112xf32, #tpu.memory_space<vmem>>, vector<1x16xf32>,
      %swap3A_145 = arith.index_cast %scan3A_115 : i32 to index
      %swap3A_146 = arith.constant 96 : index
      %swap3A_147 = tpu.vector_load %arg13[%swap3A_145, %swap3A_146] {strides = array<i32>} : memref<200x112xf32, #tpu.memory_space<vmem>>, vector<1x16xf32>,
      %swap3A_148 = vector.shape_cast %swap3A_147 : vector<1x16xf32> to vector<16xf32>
      %swap3A_149 = vector.shape_cast %broadcast_in_dim3A_5 : vector<16xf32> to vector<1x16xf32>
      tpu.vector_store %arg13[%swap3A_145, %swap3A_146], %swap3A_149 {strides = array<i32>} : memref<200x112xf32, #tpu.memory_space<vmem>>, vector<1x16xf32>,
    }
    %scan3A_10 = arith.constant 160 : i32
    %add3A_11 = arith.constant 0 : i32
    %add3A_12 = arith.addi %mul3A_4, %add3A_11 : i32
    "tpu.region"() ({
      %run_scoped3A_115 = tpu.sem_alloc : memref<!tpu.dma_semaphore, #tpu.memory_space<semaphore_mem>>
      %dma_start3A_116 = arith.constant 0 : i32
      %dma_start3A_117 = arith.constant 0 : i32
      %dma_start3A_118 = tpu.memref_slice %arg13[%dma_start3A_116, %dma_start3A_117] : memref<200x112xf32, #tpu.memory_space<vmem>> -> memref<160x112xf32, #tpu.memory_space<vmem>>
      %dma_start3A_119 = arith.constant 0 : i32
      %dma_start3A_120 = tpu.memref_slice %arg15[%add3A_12, %dma_start3A_119] : memref<10240x112xf32, #tpu.memory_space<vmem_shared>> -> memref<160x112xf32, #tpu.memory_space<vmem_shared>>
      %dma_start3A_121 = arith.constant 0 : i32
      %dma_start3A_122 = tpu.memref_slice %arg15[%add3A_12, %dma_start3A_121] : memref<10240x112xf32, #tpu.memory_space<vmem_shared>> -> memref<160x112xf32, #tpu.memory_space<vmem_shared>>
      %dma_start3A_123 = arith.constant 0 : i32
      %dma_start3A_124 = arith.constant 0 : i32
      %dma_start3A_125 = tpu.memref_slice %arg13[%dma_start3A_123, %dma_start3A_124] : memref<200x112xf32, #tpu.memory_space<vmem>> -> memref<160x112xf32, #tpu.memory_space<vmem>>
      tpu.enqueue_dma source(%dma_start3A_125 : memref<160x112xf32, #tpu.memory_space<vmem>>) target(%dma_start3A_122 : memref<160x112xf32, #tpu.memory_space<vmem_shared>>) target_semaphore(%run_scoped3A_115 : memref<!tpu.dma_semaphore, #tpu.memory_space<semaphore_mem>>)
      %dma_wait3A_126 = arith.constant 0 : i32
      %dma_wait3A_127 = arith.constant 0 : i32
      %dma_wait3A_128 = tpu.memref_slice %arg13[%dma_wait3A_126, %dma_wait3A_127] : memref<200x112xf32, #tpu.memory_space<vmem>> -> memref<160x112xf32, #tpu.memory_space<vmem>>
      %dma_wait3A_129 = arith.constant 0 : i32
      %dma_wait3A_130 = tpu.memref_slice %arg15[%add3A_12, %dma_wait3A_129] : memref<10240x112xf32, #tpu.memory_space<vmem_shared>> -> memref<160x112xf32, #tpu.memory_space<vmem_shared>>
      %dma_wait3A_131 = arith.constant 0 : i32
      %dma_wait3A_132 = tpu.memref_slice %arg15[%add3A_12, %dma_wait3A_131] : memref<10240x112xf32, #tpu.memory_space<vmem_shared>> -> memref<160x112xf32, #tpu.memory_space<vmem_shared>>
      %dma_wait3A_133 = arith.constant 0 : i32
      %dma_wait3A_134 = arith.constant 0 : i32
      %dma_wait3A_135 = tpu.memref_slice %arg13[%dma_wait3A_133, %dma_wait3A_134] : memref<200x112xf32, #tpu.memory_space<vmem>> -> memref<160x112xf32, #tpu.memory_space<vmem>>
      tpu.wait_dma2 semaphore(%run_scoped3A_115 : memref<!tpu.dma_semaphore, #tpu.memory_space<semaphore_mem>>) src(%dma_wait3A_135 : memref<160x112xf32, #tpu.memory_space<vmem>>) dst(%dma_wait3A_132 : memref<160x112xf32, #tpu.memory_space<vmem_shared>>)
      tpu.yield
    }) : () -> ()
    %add3A_13 = arith.constant 160 : i32
    %add3A_14 = arith.addi %mul3A_4, %add3A_13 : i32
    "tpu.region"() ({
      %run_scoped3A_115 = tpu.sem_alloc : memref<!tpu.dma_semaphore, #tpu.memory_space<semaphore_mem>>
      %dma_start3A_116 = arith.constant 0 : i32
      %dma_start3A_117 = arith.constant 0 : i32
      %dma_start3A_118 = tpu.memref_slice %arg13[%dma_start3A_116, %dma_start3A_117] : memref<200x112xf32, #tpu.memory_space<vmem>> -> memref<160x112xf32, #tpu.memory_space<vmem>>
      %dma_start3A_119 = arith.constant 0 : i32
      %dma_start3A_120 = tpu.memref_slice %arg15[%add3A_14, %dma_start3A_119] : memref<10240x112xf32, #tpu.memory_space<vmem_shared>> -> memref<160x112xf32, #tpu.memory_space<vmem_shared>>
      %dma_start3A_121 = arith.constant 0 : i32
      %dma_start3A_122 = tpu.memref_slice %arg15[%add3A_14, %dma_start3A_121] : memref<10240x112xf32, #tpu.memory_space<vmem_shared>> -> memref<160x112xf32, #tpu.memory_space<vmem_shared>>
      %dma_start3A_123 = arith.constant 0 : i32
      %dma_start3A_124 = arith.constant 0 : i32
      %dma_start3A_125 = tpu.memref_slice %arg13[%dma_start3A_123, %dma_start3A_124] : memref<200x112xf32, #tpu.memory_space<vmem>> -> memref<160x112xf32, #tpu.memory_space<vmem>>
      tpu.enqueue_dma source(%dma_start3A_125 : memref<160x112xf32, #tpu.memory_space<vmem>>) target(%dma_start3A_122 : memref<160x112xf32, #tpu.memory_space<vmem_shared>>) target_semaphore(%run_scoped3A_115 : memref<!tpu.dma_semaphore, #tpu.memory_space<semaphore_mem>>)
      %dma_wait3A_126 = arith.constant 0 : i32
      %dma_wait3A_127 = arith.constant 0 : i32
      %dma_wait3A_128 = tpu.memref_slice %arg13[%dma_wait3A_126, %dma_wait3A_127] : memref<200x112xf32, #tpu.memory_space<vmem>> -> memref<160x112xf32, #tpu.memory_space<vmem>>
      %dma_wait3A_129 = arith.constant 0 : i32
      %dma_wait3A_130 = tpu.memref_slice %arg15[%add3A_14, %dma_wait3A_129] : memref<10240x112xf32, #tpu.memory_space<vmem_shared>> -> memref<160x112xf32, #tpu.memory_space<vmem_shared>>
      %dma_wait3A_131 = arith.constant 0 : i32
      %dma_wait3A_132 = tpu.memref_slice %arg15[%add3A_14, %dma_wait3A_131] : memref<10240x112xf32, #tpu.memory_space<vmem_shared>> -> memref<160x112xf32, #tpu.memory_space<vmem_shared>>
      %dma_wait3A_133 = arith.constant 0 : i32
      %dma_wait3A_134 = arith.constant 0 : i32
      %dma_wait3A_135 = tpu.memref_slice %arg13[%dma_wait3A_133, %dma_wait3A_134] : memref<200x112xf32, #tpu.memory_space<vmem>> -> memref<160x112xf32, #tpu.memory_space<vmem>>
      tpu.wait_dma2 semaphore(%run_scoped3A_115 : memref<!tpu.dma_semaphore, #tpu.memory_space<semaphore_mem>>) src(%dma_wait3A_135 : memref<160x112xf32, #tpu.memory_space<vmem>>) dst(%dma_wait3A_132 : memref<160x112xf32, #tpu.memory_space<vmem_shared>>)
      tpu.yield
    }) : () -> ()
    %add3A_15 = arith.constant 320 : i32
    %add3A_16 = arith.addi %mul3A_4, %add3A_15 : i32
    "tpu.region"() ({
      %run_scoped3A_115 = tpu.sem_alloc : memref<!tpu.dma_semaphore, #tpu.memory_space<semaphore_mem>>
      %dma_start3A_116 = arith.constant 0 : i32
      %dma_start3A_117 = arith.constant 0 : i32
      %dma_start3A_118 = tpu.memref_slice %arg13[%dma_start3A_116, %dma_start3A_117] : memref<200x112xf32, #tpu.memory_space<vmem>> -> memref<160x112xf32, #tpu.memory_space<vmem>>
      %dma_start3A_119 = arith.constant 0 : i32
      %dma_start3A_120 = tpu.memref_slice %arg15[%add3A_16, %dma_start3A_119] : memref<10240x112xf32, #tpu.memory_space<vmem_shared>> -> memref<160x112xf32, #tpu.memory_space<vmem_shared>>
      %dma_start3A_121 = arith.constant 0 : i32
      %dma_start3A_122 = tpu.memref_slice %arg15[%add3A_16, %dma_start3A_121] : memref<10240x112xf32, #tpu.memory_space<vmem_shared>> -> memref<160x112xf32, #tpu.memory_space<vmem_shared>>
      %dma_start3A_123 = arith.constant 0 : i32
      %dma_start3A_124 = arith.constant 0 : i32
      %dma_start3A_125 = tpu.memref_slice %arg13[%dma_start3A_123, %dma_start3A_124] : memref<200x112xf32, #tpu.memory_space<vmem>> -> memref<160x112xf32, #tpu.memory_space<vmem>>
      tpu.enqueue_dma source(%dma_start3A_125 : memref<160x112xf32, #tpu.memory_space<vmem>>) target(%dma_start3A_122 : memref<160x112xf32, #tpu.memory_space<vmem_shared>>) target_semaphore(%run_scoped3A_115 : memref<!tpu.dma_semaphore, #tpu.memory_space<semaphore_mem>>)
      %dma_wait3A_126 = arith.constant 0 : i32
      %dma_wait3A_127 = arith.constant 0 : i32
      %dma_wait3A_128 = tpu.memref_slice %arg13[%dma_wait3A_126, %dma_wait3A_127] : memref<200x112xf32, #tpu.memory_space<vmem>> -> memref<160x112xf32, #tpu.memory_space<vmem>>
      %dma_wait3A_129 = arith.constant 0 : i32
      %dma_wait3A_130 = tpu.memref_slice %arg15[%add3A_16, %dma_wait3A_129] : memref<10240x112xf32, #tpu.memory_space<vmem_shared>> -> memref<160x112xf32, #tpu.memory_space<vmem_shared>>
      %dma_wait3A_131 = arith.constant 0 : i32
      %dma_wait3A_132 = tpu.memref_slice %arg15[%add3A_16, %dma_wait3A_131] : memref<10240x112xf32, #tpu.memory_space<vmem_shared>> -> memref<160x112xf32, #tpu.memory_space<vmem_shared>>
      %dma_wait3A_133 = arith.constant 0 : i32
      %dma_wait3A_134 = arith.constant 0 : i32
      %dma_wait3A_135 = tpu.memref_slice %arg13[%dma_wait3A_133, %dma_wait3A_134] : memref<200x112xf32, #tpu.memory_space<vmem>> -> memref<160x112xf32, #tpu.memory_space<vmem>>
      tpu.wait_dma2 semaphore(%run_scoped3A_115 : memref<!tpu.dma_semaphore, #tpu.memory_space<semaphore_mem>>) src(%dma_wait3A_135 : memref<160x112xf32, #tpu.memory_space<vmem>>) dst(%dma_wait3A_132 : memref<160x112xf32, #tpu.memory_space<vmem_shared>>)
      tpu.yield
    }) : () -> ()
    %add3A_17 = arith.constant 480 : i32
    %add3A_18 = arith.addi %mul3A_4, %add3A_17 : i32
    "tpu.region"() ({
      %run_scoped3A_115 = tpu.sem_alloc : memref<!tpu.dma_semaphore, #tpu.memory_space<semaphore_mem>>
      %dma_start3A_116 = arith.constant 0 : i32
      %dma_start3A_117 = arith.constant 0 : i32
      %dma_start3A_118 = tpu.memref_slice %arg13[%dma_start3A_116, %dma_start3A_117] : memref<200x112xf32, #tpu.memory_space<vmem>> -> memref<160x112xf32, #tpu.memory_space<vmem>>
      %dma_start3A_119 = arith.constant 0 : i32
      %dma_start3A_120 = tpu.memref_slice %arg15[%add3A_18, %dma_start3A_119] : memref<10240x112xf32, #tpu.memory_space<vmem_shared>> -> memref<160x112xf32, #tpu.memory_space<vmem_shared>>
      %dma_start3A_121 = arith.constant 0 : i32
      %dma_start3A_122 = tpu.memref_slice %arg15[%add3A_18, %dma_start3A_121] : memref<10240x112xf32, #tpu.memory_space<vmem_shared>> -> memref<160x112xf32, #tpu.memory_space<vmem_shared>>
      %dma_start3A_123 = arith.constant 0 : i32
      %dma_start3A_124 = arith.constant 0 : i32
      %dma_start3A_125 = tpu.memref_slice %arg13[%dma_start3A_123, %dma_start3A_124] : memref<200x112xf32, #tpu.memory_space<vmem>> -> memref<160x112xf32, #tpu.memory_space<vmem>>
      tpu.enqueue_dma source(%dma_start3A_125 : memref<160x112xf32, #tpu.memory_space<vmem>>) target(%dma_start3A_122 : memref<160x112xf32, #tpu.memory_space<vmem_shared>>) target_semaphore(%run_scoped3A_115 : memref<!tpu.dma_semaphore, #tpu.memory_space<semaphore_mem>>)
      %dma_wait3A_126 = arith.constant 0 : i32
      %dma_wait3A_127 = arith.constant 0 : i32
      %dma_wait3A_128 = tpu.memref_slice %arg13[%dma_wait3A_126, %dma_wait3A_127] : memref<200x112xf32, #tpu.memory_space<vmem>> -> memref<160x112xf32, #tpu.memory_space<vmem>>
      %dma_wait3A_129 = arith.constant 0 : i32
      %dma_wait3A_130 = tpu.memref_slice %arg15[%add3A_18, %dma_wait3A_129] : memref<10240x112xf32, #tpu.memory_space<vmem_shared>> -> memref<160x112xf32, #tpu.memory_space<vmem_shared>>
      %dma_wait3A_131 = arith.constant 0 : i32
      %dma_wait3A_132 = tpu.memref_slice %arg15[%add3A_18, %dma_wait3A_131] : memref<10240x112xf32, #tpu.memory_space<vmem_shared>> -> memref<160x112xf32, #tpu.memory_space<vmem_shared>>
      %dma_wait3A_133 = arith.constant 0 : i32
      %dma_wait3A_134 = arith.constant 0 : i32
      %dma_wait3A_135 = tpu.memref_slice %arg13[%dma_wait3A_133, %dma_wait3A_134] : memref<200x112xf32, #tpu.memory_space<vmem>> -> memref<160x112xf32, #tpu.memory_space<vmem>>
      tpu.wait_dma2 semaphore(%run_scoped3A_115 : memref<!tpu.dma_semaphore, #tpu.memory_space<semaphore_mem>>) src(%dma_wait3A_135 : memref<160x112xf32, #tpu.memory_space<vmem>>) dst(%dma_wait3A_132 : memref<160x112xf32, #tpu.memory_space<vmem_shared>>)
      tpu.yield
    }) : () -> ()
    %barrier3A = arith.constant 0 : index
    tpu.barrier barrier_id(%barrier3A)
    %add3A_19 = arith.constant 0 : i32
    %add3A_20 = arith.addi %mul3A_2, %add3A_19 : i32
    %run_scoped3A = arith.constant 1 : i32
    "tpu.region"() ({
      %run_scoped3A_115 = tpu.sem_alloc : memref<!tpu.dma_semaphore, #tpu.memory_space<semaphore_mem>>
      %dma_start3A_116 = tpu.memref_slice %arg3[%run_scoped3A, %add3A_20] : memref<2x320000xi32, #tpu.memory_space<hbm>> -> memref<1x200xi32, #tpu.memory_space<hbm>>
      %dma_start3A_117 = tpu.memref_squeeze %dma_start3A_116 : memref<1x200xi32, #tpu.memory_space<hbm>> -> memref<200xi32, #tpu.memory_space<hbm>>
      %dma_start3A_118 = tpu.memref_slice %arg3[%run_scoped3A, %add3A_20] : memref<2x320000xi32, #tpu.memory_space<hbm>> -> memref<1x200xi32, #tpu.memory_space<hbm>>
      %dma_start3A_119 = tpu.memref_squeeze %dma_start3A_118 : memref<1x200xi32, #tpu.memory_space<hbm>> -> memref<200xi32, #tpu.memory_space<hbm>>
      tpu.enqueue_dma source(%dma_start3A_119 : memref<200xi32, #tpu.memory_space<hbm>>) target(%arg5 : memref<200xi32, #tpu.memory_space<vmem>>) target_semaphore(%run_scoped3A_115 : memref<!tpu.dma_semaphore, #tpu.memory_space<semaphore_mem>>)
      %dma_wait3A_120 = tpu.memref_slice %arg3[%run_scoped3A, %add3A_20] : memref<2x320000xi32, #tpu.memory_space<hbm>> -> memref<1x200xi32, #tpu.memory_space<hbm>>
      %dma_wait3A_121 = tpu.memref_squeeze %dma_wait3A_120 : memref<1x200xi32, #tpu.memory_space<hbm>> -> memref<200xi32, #tpu.memory_space<hbm>>
      %dma_wait3A_122 = tpu.memref_slice %arg3[%run_scoped3A, %add3A_20] : memref<2x320000xi32, #tpu.memory_space<hbm>> -> memref<1x200xi32, #tpu.memory_space<hbm>>
      %dma_wait3A_123 = tpu.memref_squeeze %dma_wait3A_122 : memref<1x200xi32, #tpu.memory_space<hbm>> -> memref<200xi32, #tpu.memory_space<hbm>>
      tpu.wait_dma2 semaphore(%run_scoped3A_115 : memref<!tpu.dma_semaphore, #tpu.memory_space<semaphore_mem>>) src(%dma_wait3A_123 : memref<200xi32, #tpu.memory_space<hbm>>) dst(%arg5 : memref<200xi32, #tpu.memory_space<vmem>>)
      tpu.yield
    }) : () -> ()
    %add3A_21 = arith.constant 0 : i32
    %add3A_22 = arith.addi %mul3A_2, %add3A_21 : i32
    %run_scoped3A_23 = arith.constant 0 : i32
    "tpu.region"() ({
      %run_scoped3A_115 = tpu.sem_alloc : memref<!tpu.dma_semaphore, #tpu.memory_space<semaphore_mem>>
      %dma_start3A_116 = tpu.memref_slice %arg3[%run_scoped3A_23, %add3A_22] : memref<2x320000xi32, #tpu.memory_space<hbm>> -> memref<1x200xi32, #tpu.memory_space<hbm>>
      %dma_start3A_117 = tpu.memref_squeeze %dma_start3A_116 : memref<1x200xi32, #tpu.memory_space<hbm>> -> memref<200xi32, #tpu.memory_space<hbm>>
      %dma_start3A_118 = tpu.memref_slice %arg3[%run_scoped3A_23, %add3A_22] : memref<2x320000xi32, #tpu.memory_space<hbm>> -> memref<1x200xi32, #tpu.memory_space<hbm>>
      %dma_start3A_119 = tpu.memref_squeeze %dma_start3A_118 : memref<1x200xi32, #tpu.memory_space<hbm>> -> memref<200xi32, #tpu.memory_space<hbm>>
      tpu.enqueue_dma source(%dma_start3A_119 : memref<200xi32, #tpu.memory_space<hbm>>) target(%arg9 : memref<200xi32, #tpu.memory_space<vmem>>) target_semaphore(%run_scoped3A_115 : memref<!tpu.dma_semaphore, #tpu.memory_space<semaphore_mem>>)
      %dma_wait3A_120 = tpu.memref_slice %arg3[%run_scoped3A_23, %add3A_22] : memref<2x320000xi32, #tpu.memory_space<hbm>> -> memref<1x200xi32, #tpu.memory_space<hbm>>
      %dma_wait3A_121 = tpu.memref_squeeze %dma_wait3A_120 : memref<1x200xi32, #tpu.memory_space<hbm>> -> memref<200xi32, #tpu.memory_space<hbm>>
      %dma_wait3A_122 = tpu.memref_slice %arg3[%run_scoped3A_23, %add3A_22] : memref<2x320000xi32, #tpu.memory_space<hbm>> -> memref<1x200xi32, #tpu.memory_space<hbm>>
      %dma_wait3A_123 = tpu.memref_squeeze %dma_wait3A_122 : memref<1x200xi32, #tpu.memory_space<hbm>> -> memref<200xi32, #tpu.memory_space<hbm>>
      tpu.wait_dma2 semaphore(%run_scoped3A_115 : memref<!tpu.dma_semaphore, #tpu.memory_space<semaphore_mem>>) src(%dma_wait3A_123 : memref<200xi32, #tpu.memory_space<hbm>>) dst(%arg9 : memref<200xi32, #tpu.memory_space<vmem>>)
      tpu.yield
    }) : () -> ()
    %add3A_24 = arith.constant 200 : i32
    %add3A_25 = arith.addi %mul3A_2, %add3A_24 : i32
    %run_scoped3A_26 = arith.constant 1 : i32
    "tpu.region"() ({
      %run_scoped3A_115 = tpu.sem_alloc : memref<!tpu.dma_semaphore, #tpu.memory_space<semaphore_mem>>
      %dma_start3A_116 = tpu.memref_slice %arg3[%run_scoped3A_26, %add3A_25] : memref<2x320000xi32, #tpu.memory_space<hbm>> -> memref<1x200xi32, #tpu.memory_space<hbm>>
      %dma_start3A_117 = tpu.memref_squeeze %dma_start3A_116 : memref<1x200xi32, #tpu.memory_space<hbm>> -> memref<200xi32, #tpu.memory_space<hbm>>
      %dma_start3A_118 = tpu.memref_slice %arg3[%run_scoped3A_26, %add3A_25] : memref<2x320000xi32, #tpu.memory_space<hbm>> -> memref<1x200xi32, #tpu.memory_space<hbm>>
      %dma_start3A_119 = tpu.memref_squeeze %dma_start3A_118 : memref<1x200xi32, #tpu.memory_space<hbm>> -> memref<200xi32, #tpu.memory_space<hbm>>
      tpu.enqueue_dma source(%dma_start3A_119 : memref<200xi32, #tpu.memory_space<hbm>>) target(%arg6 : memref<200xi32, #tpu.memory_space<vmem>>) target_semaphore(%run_scoped3A_115 : memref<!tpu.dma_semaphore, #tpu.memory_space<semaphore_mem>>)
      %dma_wait3A_120 = tpu.memref_slice %arg3[%run_scoped3A_26, %add3A_25] : memref<2x320000xi32, #tpu.memory_space<hbm>> -> memref<1x200xi32, #tpu.memory_space<hbm>>
      %dma_wait3A_121 = tpu.memref_squeeze %dma_wait3A_120 : memref<1x200xi32, #tpu.memory_space<hbm>> -> memref<200xi32, #tpu.memory_space<hbm>>
      %dma_wait3A_122 = tpu.memref_slice %arg3[%run_scoped3A_26, %add3A_25] : memref<2x320000xi32, #tpu.memory_space<hbm>> -> memref<1x200xi32, #tpu.memory_space<hbm>>
      %dma_wait3A_123 = tpu.memref_squeeze %dma_wait3A_122 : memref<1x200xi32, #tpu.memory_space<hbm>> -> memref<200xi32, #tpu.memory_space<hbm>>
      tpu.wait_dma2 semaphore(%run_scoped3A_115 : memref<!tpu.dma_semaphore, #tpu.memory_space<semaphore_mem>>) src(%dma_wait3A_123 : memref<200xi32, #tpu.memory_space<hbm>>) dst(%arg6 : memref<200xi32, #tpu.memory_space<vmem>>)
      tpu.yield
    }) : () -> ()
    %add3A_27 = arith.constant 200 : i32
    %add3A_28 = arith.addi %mul3A_2, %add3A_27 : i32
    %run_scoped3A_29 = arith.constant 0 : i32
    "tpu.region"() ({
      %run_scoped3A_115 = tpu.sem_alloc : memref<!tpu.dma_semaphore, #tpu.memory_space<semaphore_mem>>
      %dma_start3A_116 = tpu.memref_slice %arg3[%run_scoped3A_29, %add3A_28] : memref<2x320000xi32, #tpu.memory_space<hbm>> -> memref<1x200xi32, #tpu.memory_space<hbm>>
      %dma_start3A_117 = tpu.memref_squeeze %dma_start3A_116 : memref<1x200xi32, #tpu.memory_space<hbm>> -> memref<200xi32, #tpu.memory_space<hbm>>
      %dma_start3A_118 = tpu.memref_slice %arg3[%run_scoped3A_29, %add3A_28] : memref<2x320000xi32, #tpu.memory_space<hbm>> -> memref<1x200xi32, #tpu.memory_space<hbm>>
      %dma_start3A_119 = tpu.memref_squeeze %dma_start3A_118 : memref<1x200xi32, #tpu.memory_space<hbm>> -> memref<200xi32, #tpu.memory_space<hbm>>
      tpu.enqueue_dma source(%dma_start3A_119 : memref<200xi32, #tpu.memory_space<hbm>>) target(%arg10 : memref<200xi32, #tpu.memory_space<vmem>>) target_semaphore(%run_scoped3A_115 : memref<!tpu.dma_semaphore, #tpu.memory_space<semaphore_mem>>)
      %dma_wait3A_120 = tpu.memref_slice %arg3[%run_scoped3A_29, %add3A_28] : memref<2x320000xi32, #tpu.memory_space<hbm>> -> memref<1x200xi32, #tpu.memory_space<hbm>>
      %dma_wait3A_121 = tpu.memref_squeeze %dma_wait3A_120 : memref<1x200xi32, #tpu.memory_space<hbm>> -> memref<200xi32, #tpu.memory_space<hbm>>
      %dma_wait3A_122 = tpu.memref_slice %arg3[%run_scoped3A_29, %add3A_28] : memref<2x320000xi32, #tpu.memory_space<hbm>> -> memref<1x200xi32, #tpu.memory_space<hbm>>
      %dma_wait3A_123 = tpu.memref_squeeze %dma_wait3A_122 : memref<1x200xi32, #tpu.memory_space<hbm>> -> memref<200xi32, #tpu.memory_space<hbm>>
      tpu.wait_dma2 semaphore(%run_scoped3A_115 : memref<!tpu.dma_semaphore, #tpu.memory_space<semaphore_mem>>) src(%dma_wait3A_123 : memref<200xi32, #tpu.memory_space<hbm>>) dst(%arg10 : memref<200xi32, #tpu.memory_space<vmem>>)
      tpu.yield
    }) : () -> ()
    %dma_start3A = arith.constant 0 : i32
    %dma_start3A_30 = arith.constant 0 : i32
    %dma_start3A_31 = tpu.memref_slice %arg2[%dma_start3A, %dma_start3A_30] : memref<10000x112xf32, #tpu.memory_space<hbm>> -> memref<10000x112xf32, #tpu.memory_space<hbm>>
    tpu.enqueue_indirect_dma source(%dma_start3A_31 : memref<10000x112xf32, #tpu.memory_space<hbm>>) target(%arg13 : memref<200x112xf32, #tpu.memory_space<vmem>>) offsets(%arg5 : memref<200xi32, #tpu.memory_space<vmem>>) semaphore(%arg16 : memref<!tpu.dma_semaphore, #tpu.memory_space<semaphore_mem>>)
    %dma_start3A_32 = arith.constant 0 : i32
    %dma_start3A_33 = arith.constant 0 : i32
    %dma_start3A_34 = tpu.memref_slice %arg2[%dma_start3A_32, %dma_start3A_33] : memref<10000x112xf32, #tpu.memory_space<hbm>> -> memref<10000x112xf32, #tpu.memory_space<hbm>>
    tpu.enqueue_indirect_dma source(%dma_start3A_34 : memref<10000x112xf32, #tpu.memory_space<hbm>>) target(%arg14 : memref<200x112xf32, #tpu.memory_space<vmem>>) offsets(%arg6 : memref<200xi32, #tpu.memory_space<vmem>>) semaphore(%arg17 : memref<!tpu.dma_semaphore, #tpu.memory_space<semaphore_mem>>)
    %min3A = arith.constant 2 : i32
    %min3A_35 = arith.constant 49 : i32
    %min3A_36 = arith.minsi %min3A, %min3A_35 : i32
    %mul3A_37 = arith.constant 200 : i32
    %mul3A_38 = arith.muli %min3A_36, %mul3A_37 : i32
    %add3A_39 = arith.addi %mul3A_2, %mul3A_38 : i32
    %dma_start3A_40 = arith.constant 1 : i32
    %dma_start3A_41 = tpu.memref_slice %arg3[%dma_start3A_40, %add3A_39] : memref<2x320000xi32, #tpu.memory_space<hbm>> -> memref<1x200xi32, #tpu.memory_space<hbm>>
    %dma_start3A_42 = tpu.memref_squeeze %dma_start3A_41 : memref<1x200xi32, #tpu.memory_space<hbm>> -> memref<200xi32, #tpu.memory_space<hbm>>
    %dma_start3A_43 = tpu.memref_slice %arg3[%dma_start3A_40, %add3A_39] : memref<2x320000xi32, #tpu.memory_space<hbm>> -> memref<1x200xi32, #tpu.memory_space<hbm>>
    %dma_start3A_44 = tpu.memref_squeeze %dma_start3A_43 : memref<1x200xi32, #tpu.memory_space<hbm>> -> memref<200xi32, #tpu.memory_space<hbm>>
    tpu.enqueue_dma source(%dma_start3A_44 : memref<200xi32, #tpu.memory_space<hbm>>) target(%arg7 : memref<200xi32, #tpu.memory_space<vmem>>) target_semaphore(%arg20 : memref<!tpu.dma_semaphore, #tpu.memory_space<semaphore_mem>>)
    %mul3A_45 = arith.constant 200 : i32
    %mul3A_46 = arith.muli %min3A_36, %mul3A_45 : i32
    %add3A_47 = arith.addi %mul3A_2, %mul3A_46 : i32
    %dma_start3A_48 = arith.constant 0 : i32
    %dma_start3A_49 = tpu.memref_slice %arg3[%dma_start3A_48, %add3A_47] : memref<2x320000xi32, #tpu.memory_space<hbm>> -> memref<1x200xi32, #tpu.memory_space<hbm>>
    %dma_start3A_50 = tpu.memref_squeeze %dma_start3A_49 : memref<1x200xi32, #tpu.memory_space<hbm>> -> memref<200xi32, #tpu.memory_space<hbm>>
    %dma_start3A_51 = tpu.memref_slice %arg3[%dma_start3A_48, %add3A_47] : memref<2x320000xi32, #tpu.memory_space<hbm>> -> memref<1x200xi32, #tpu.memory_space<hbm>>
    %dma_start3A_52 = tpu.memref_squeeze %dma_start3A_51 : memref<1x200xi32, #tpu.memory_space<hbm>> -> memref<200xi32, #tpu.memory_space<hbm>>
    tpu.enqueue_dma source(%dma_start3A_52 : memref<200xi32, #tpu.memory_space<hbm>>) target(%arg11 : memref<200xi32, #tpu.memory_space<vmem>>) target_semaphore(%arg20 : memref<!tpu.dma_semaphore, #tpu.memory_space<semaphore_mem>>)
    %min3A_53 = arith.constant 3 : i32
    %min3A_54 = arith.constant 49 : i32
    %min3A_55 = arith.minsi %min3A_53, %min3A_54 : i32
    %mul3A_56 = arith.constant 200 : i32
    %mul3A_57 = arith.muli %min3A_55, %mul3A_56 : i32
    %add3A_58 = arith.addi %mul3A_2, %mul3A_57 : i32
    %dma_start3A_59 = arith.constant 1 : i32
    %dma_start3A_60 = tpu.memref_slice %arg3[%dma_start3A_59, %add3A_58] : memref<2x320000xi32, #tpu.memory_space<hbm>> -> memref<1x200xi32, #tpu.memory_space<hbm>>
    %dma_start3A_61 = tpu.memref_squeeze %dma_start3A_60 : memref<1x200xi32, #tpu.memory_space<hbm>> -> memref<200xi32, #tpu.memory_space<hbm>>
    %dma_start3A_62 = tpu.memref_slice %arg3[%dma_start3A_59, %add3A_58] : memref<2x320000xi32, #tpu.memory_space<hbm>> -> memref<1x200xi32, #tpu.memory_space<hbm>>
    %dma_start3A_63 = tpu.memref_squeeze %dma_start3A_62 : memref<1x200xi32, #tpu.memory_space<hbm>> -> memref<200xi32, #tpu.memory_space<hbm>>
    tpu.enqueue_dma source(%dma_start3A_63 : memref<200xi32, #tpu.memory_space<hbm>>) target(%arg8 : memref<200xi32, #tpu.memory_space<vmem>>) target_semaphore(%arg21 : memref<!tpu.dma_semaphore, #tpu.memory_space<semaphore_mem>>)
    %mul3A_64 = arith.constant 200 : i32
    %mul3A_65 = arith.muli %min3A_55, %mul3A_64 : i32
    %add3A_66 = arith.addi %mul3A_2, %mul3A_65 : i32
    %dma_start3A_67 = arith.constant 0 : i32
    %dma_start3A_68 = tpu.memref_slice %arg3[%dma_start3A_67, %add3A_66] : memref<2x320000xi32, #tpu.memory_space<hbm>> -> memref<1x200xi32, #tpu.memory_space<hbm>>
    %dma_start3A_69 = tpu.memref_squeeze %dma_start3A_68 : memref<1x200xi32, #tpu.memory_space<hbm>> -> memref<200xi32, #tpu.memory_space<hbm>>
    %dma_start3A_70 = tpu.memref_slice %arg3[%dma_start3A_67, %add3A_66] : memref<2x320000xi32, #tpu.memory_space<hbm>> -> memref<1x200xi32, #tpu.memory_space<hbm>>
    %dma_start3A_71 = tpu.memref_squeeze %dma_start3A_70 : memref<1x200xi32, #tpu.memory_space<hbm>> -> memref<200xi32, #tpu.memory_space<hbm>>
    tpu.enqueue_dma source(%dma_start3A_71 : memref<200xi32, #tpu.memory_space<hbm>>) target(%arg12 : memref<200xi32, #tpu.memory_space<vmem>>) target_semaphore(%arg21 : memref<!tpu.dma_semaphore, #tpu.memory_space<semaphore_mem>>)
    %scan3A_72 = arith.constant 0 : i32
    %scan3A_73 = arith.constant 0 : i32
    %scan3A_74 = arith.constant 12 : i32
    %scan3A_75 = arith.addi %scan3A_73, %scan3A_74 : i32
    %scan3A_76 = arith.constant 1 : i32
    scf.for %scan3A_115 = %scan3A_73 to %scan3A_75 step %scan3A_76  : i32 {
      %mul3A_116 = arith.constant 4 : i32
      %mul3A_117 = arith.muli %mul3A_116, %scan3A_115 : i32
      %dma_wait3A_118 = arith.constant 0 : i32
      %dma_wait3A_119 = arith.constant 0 : i32
      %dma_wait3A_120 = tpu.memref_slice %arg2[%dma_wait3A_118, %dma_wait3A_119] : memref<10000x112xf32, #tpu.memory_space<hbm>> -> memref<10000x112xf32, #tpu.memory_space<hbm>>
      tpu.wait_indirect_dma semaphore(%arg16 : memref<!tpu.dma_semaphore, #tpu.memory_space<semaphore_mem>>) src(%dma_wait3A_120 : memref<10000x112xf32, #tpu.memory_space<hbm>>) dst(%arg13 : memref<200x112xf32, #tpu.memory_space<vmem>>)
      "tpu.region"() ({
        %run_scoped3A_286 = tpu.sem_alloc : memref<!tpu.dma_semaphore, #tpu.memory_space<semaphore_mem>>
        %dma_start3A_287 = arith.constant 0 : i32
        %dma_start3A_288 = arith.constant 0 : i32
        %dma_start3A_289 = tpu.memref_slice %arg15[%dma_start3A_287, %dma_start3A_288] : memref<10240x112xf32, #tpu.memory_space<vmem_shared>> -> memref<10240x112xf32, #tpu.memory_space<vmem_shared>>
        tpu.enqueue_indirect_dma source(%arg13 : memref<200x112xf32, #tpu.memory_space<vmem>>) target(%dma_start3A_289 : memref<10240x112xf32, #tpu.memory_space<vmem_shared>>) offsets(%arg9 : memref<200xi32, #tpu.memory_space<vmem>>) semaphore(%run_scoped3A_286 : memref<!tpu.dma_semaphore, #tpu.memory_space<semaphore_mem>>) {add = true}
        %dma_wait3A_290 = arith.constant 0 : i32
        %dma_wait3A_291 = arith.constant 0 : i32
        %dma_wait3A_292 = tpu.memref_slice %arg15[%dma_wait3A_290, %dma_wait3A_291] : memref<10240x112xf32, #tpu.memory_space<vmem_shared>> -> memref<10240x112xf32, #tpu.memory_space<vmem_shared>>
        tpu.wait_indirect_dma semaphore(%run_scoped3A_286 : memref<!tpu.dma_semaphore, #tpu.memory_space<semaphore_mem>>) src(%arg13 : memref<200x112xf32, #tpu.memory_space<vmem>>) dst(%dma_wait3A_292 : memref<10240x112xf32, #tpu.memory_space<vmem_shared>>)
        tpu.yield
      }) : () -> ()
      %add3A_121 = arith.constant 0 : i32
      %add3A_122 = arith.addi %mul3A_117, %add3A_121 : i32
      %add3A_123 = arith.constant 4 : i32
      %add3A_124 = arith.addi %add3A_122, %add3A_123 : i32
      %min3A_125 = arith.constant 49 : i32
      %min3A_126 = arith.minsi %add3A_124, %min3A_125 : i32
      %mul3A_127 = arith.constant 200 : i32
      %mul3A_128 = arith.muli %min3A_126, %mul3A_127 : i32
      %add3A_129 = arith.addi %mul3A_2, %mul3A_128 : i32
      %dma_start3A_130 = arith.constant 1 : i32
      %dma_start3A_131 = tpu.memref_slice %arg3[%dma_start3A_130, %add3A_129] : memref<2x320000xi32, #tpu.memory_space<hbm>> -> memref<1x200xi32, #tpu.memory_space<hbm>>
      %dma_start3A_132 = tpu.memref_squeeze %dma_start3A_131 : memref<1x200xi32, #tpu.memory_space<hbm>> -> memref<200xi32, #tpu.memory_space<hbm>>
      %dma_start3A_133 = tpu.memref_slice %arg3[%dma_start3A_130, %add3A_129] : memref<2x320000xi32, #tpu.memory_space<hbm>> -> memref<1x200xi32, #tpu.memory_space<hbm>>
      %dma_start3A_134 = tpu.memref_squeeze %dma_start3A_133 : memref<1x200xi32, #tpu.memory_space<hbm>> -> memref<200xi32, #tpu.memory_space<hbm>>
      tpu.enqueue_dma source(%dma_start3A_134 : memref<200xi32, #tpu.memory_space<hbm>>) target(%arg5 : memref<200xi32, #tpu.memory_space<vmem>>) target_semaphore(%arg18 : memref<!tpu.dma_semaphore, #tpu.memory_space<semaphore_mem>>)
      %mul3A_135 = arith.constant 200 : i32
      %mul3A_136 = arith.muli %min3A_126, %mul3A_135 : i32
      %add3A_137 = arith.addi %mul3A_2, %mul3A_136 : i32
      %dma_start3A_138 = arith.constant 0 : i32
      %dma_start3A_139 = tpu.memref_slice %arg3[%dma_start3A_138, %add3A_137] : memref<2x320000xi32, #tpu.memory_space<hbm>> -> memref<1x200xi32, #tpu.memory_space<hbm>>
      %dma_start3A_140 = tpu.memref_squeeze %dma_start3A_139 : memref<1x200xi32, #tpu.memory_space<hbm>> -> memref<200xi32, #tpu.memory_space<hbm>>
      %dma_start3A_141 = tpu.memref_slice %arg3[%dma_start3A_138, %add3A_137] : memref<2x320000xi32, #tpu.memory_space<hbm>> -> memref<1x200xi32, #tpu.memory_space<hbm>>
      %dma_start3A_142 = tpu.memref_squeeze %dma_start3A_141 : memref<1x200xi32, #tpu.memory_space<hbm>> -> memref<200xi32, #tpu.memory_space<hbm>>
      tpu.enqueue_dma source(%dma_start3A_142 : memref<200xi32, #tpu.memory_space<hbm>>) target(%arg9 : memref<200xi32, #tpu.memory_space<vmem>>) target_semaphore(%arg18 : memref<!tpu.dma_semaphore, #tpu.memory_space<semaphore_mem>>)
      %dma_wait3A_143 = arith.constant 0 : i32
      %dma_wait3A_144 = arith.constant 0 : i32
      %dma_wait3A_145 = tpu.memref_slice %arg3[%dma_wait3A_143, %dma_wait3A_144] : memref<2x320000xi32, #tpu.memory_space<hbm>> -> memref<1x200xi32, #tpu.memory_space<hbm>>
      %dma_wait3A_146 = tpu.memref_squeeze %dma_wait3A_145 : memref<1x200xi32, #tpu.memory_space<hbm>> -> memref<200xi32, #tpu.memory_space<hbm>>
      %dma_wait3A_147 = arith.constant 0 : i32
      %dma_wait3A_148 = tpu.memref_slice %arg3[%dma_wait3A_143, %dma_wait3A_147] : memref<2x320000xi32, #tpu.memory_space<hbm>> -> memref<1x200xi32, #tpu.memory_space<hbm>>
      %dma_wait3A_149 = tpu.memref_squeeze %dma_wait3A_148 : memref<1x200xi32, #tpu.memory_space<hbm>> -> memref<200xi32, #tpu.memory_space<hbm>>
      tpu.wait_dma2 semaphore(%arg20 : memref<!tpu.dma_semaphore, #tpu.memory_space<semaphore_mem>>) src(%dma_wait3A_149 : memref<200xi32, #tpu.memory_space<hbm>>) dst(%arg11 : memref<200xi32, #tpu.memory_space<vmem>>)
      %dma_wait3A_150 = arith.constant 0 : i32
      %dma_wait3A_151 = arith.constant 0 : i32
      %dma_wait3A_152 = tpu.memref_slice %arg3[%dma_wait3A_150, %dma_wait3A_151] : memref<2x320000xi32, #tpu.memory_space<hbm>> -> memref<1x200xi32, #tpu.memory_space<hbm>>
      %dma_wait3A_153 = tpu.memref_squeeze %dma_wait3A_152 : memref<1x200xi32, #tpu.memory_space<hbm>> -> memref<200xi32, #tpu.memory_space<hbm>>
      %dma_wait3A_154 = arith.constant 0 : i32
      %dma_wait3A_155 = tpu.memref_slice %arg3[%dma_wait3A_150, %dma_wait3A_154] : memref<2x320000xi32, #tpu.memory_space<hbm>> -> memref<1x200xi32, #tpu.memory_space<hbm>>
      %dma_wait3A_156 = tpu.memref_squeeze %dma_wait3A_155 : memref<1x200xi32, #tpu.memory_space<hbm>> -> memref<200xi32, #tpu.memory_space<hbm>>
      tpu.wait_dma2 semaphore(%arg20 : memref<!tpu.dma_semaphore, #tpu.memory_space<semaphore_mem>>) src(%dma_wait3A_156 : memref<200xi32, #tpu.memory_space<hbm>>) dst(%arg11 : memref<200xi32, #tpu.memory_space<vmem>>)
      %dma_start3A_157 = arith.constant 0 : i32
      %dma_start3A_158 = arith.constant 0 : i32
      %dma_start3A_159 = tpu.memref_slice %arg2[%dma_start3A_157, %dma_start3A_158] : memref<10000x112xf32, #tpu.memory_space<hbm>> -> memref<10000x112xf32, #tpu.memory_space<hbm>>
      tpu.enqueue_indirect_dma source(%dma_start3A_159 : memref<10000x112xf32, #tpu.memory_space<hbm>>) target(%arg13 : memref<200x112xf32, #tpu.memory_space<vmem>>) offsets(%arg7 : memref<200xi32, #tpu.memory_space<vmem>>) semaphore(%arg16 : memref<!tpu.dma_semaphore, #tpu.memory_space<semaphore_mem>>)
      %dma_wait3A_160 = arith.constant 0 : i32
      %dma_wait3A_161 = arith.constant 0 : i32
      %dma_wait3A_162 = tpu.memref_slice %arg2[%dma_wait3A_160, %dma_wait3A_161] : memref<10000x112xf32, #tpu.memory_space<hbm>> -> memref<10000x112xf32, #tpu.memory_space<hbm>>
      tpu.wait_indirect_dma semaphore(%arg17 : memref<!tpu.dma_semaphore, #tpu.memory_space<semaphore_mem>>) src(%dma_wait3A_162 : memref<10000x112xf32, #tpu.memory_space<hbm>>) dst(%arg14 : memref<200x112xf32, #tpu.memory_space<vmem>>)
      "tpu.region"() ({
        %run_scoped3A_286 = tpu.sem_alloc : memref<!tpu.dma_semaphore, #tpu.memory_space<semaphore_mem>>
        %dma_start3A_287 = arith.constant 0 : i32
        %dma_start3A_288 = arith.constant 0 : i32
        %dma_start3A_289 = tpu.memref_slice %arg15[%dma_start3A_287, %dma_start3A_288] : memref<10240x112xf32, #tpu.memory_space<vmem_shared>> -> memref<10240x112xf32, #tpu.memory_space<vmem_shared>>
        tpu.enqueue_indirect_dma source(%arg14 : memref<200x112xf32, #tpu.memory_space<vmem>>) target(%dma_start3A_289 : memref<10240x112xf32, #tpu.memory_space<vmem_shared>>) offsets(%arg10 : memref<200xi32, #tpu.memory_space<vmem>>) semaphore(%run_scoped3A_286 : memref<!tpu.dma_semaphore, #tpu.memory_space<semaphore_mem>>) {add = true}
        %dma_wait3A_290 = arith.constant 0 : i32
        %dma_wait3A_291 = arith.constant 0 : i32
        %dma_wait3A_292 = tpu.memref_slice %arg15[%dma_wait3A_290, %dma_wait3A_291] : memref<10240x112xf32, #tpu.memory_space<vmem_shared>> -> memref<10240x112xf32, #tpu.memory_space<vmem_shared>>
        tpu.wait_indirect_dma semaphore(%run_scoped3A_286 : memref<!tpu.dma_semaphore, #tpu.memory_space<semaphore_mem>>) src(%arg14 : memref<200x112xf32, #tpu.memory_space<vmem>>) dst(%dma_wait3A_292 : memref<10240x112xf32, #tpu.memory_space<vmem_shared>>)
        tpu.yield
      }) : () -> ()
      %add3A_163 = arith.constant 1 : i32
      %add3A_164 = arith.addi %mul3A_117, %add3A_163 : i32
      %add3A_165 = arith.constant 4 : i32
      %add3A_166 = arith.addi %add3A_164, %add3A_165 : i32
      %min3A_167 = arith.constant 49 : i32
      %min3A_168 = arith.minsi %add3A_166, %min3A_167 : i32
      %mul3A_169 = arith.constant 200 : i32
      %mul3A_170 = arith.muli %min3A_168, %mul3A_169 : i32
      %add3A_171 = arith.addi %mul3A_2, %mul3A_170 : i32
      %dma_start3A_172 = arith.constant 1 : i32
      %dma_start3A_173 = tpu.memref_slice %arg3[%dma_start3A_172, %add3A_171] : memref<2x320000xi32, #tpu.memory_space<hbm>> -> memref<1x200xi32, #tpu.memory_space<hbm>>
      %dma_start3A_174 = tpu.memref_squeeze %dma_start3A_173 : memref<1x200xi32, #tpu.memory_space<hbm>> -> memref<200xi32, #tpu.memory_space<hbm>>
      %dma_start3A_175 = tpu.memref_slice %arg3[%dma_start3A_172, %add3A_171] : memref<2x320000xi32, #tpu.memory_space<hbm>> -> memref<1x200xi32, #tpu.memory_space<hbm>>
      %dma_start3A_176 = tpu.memref_squeeze %dma_start3A_175 : memref<1x200xi32, #tpu.memory_space<hbm>> -> memref<200xi32, #tpu.memory_space<hbm>>
      tpu.enqueue_dma source(%dma_start3A_176 : memref<200xi32, #tpu.memory_space<hbm>>) target(%arg6 : memref<200xi32, #tpu.memory_space<vmem>>) target_semaphore(%arg19 : memref<!tpu.dma_semaphore, #tpu.memory_space<semaphore_mem>>)
      %mul3A_177 = arith.constant 200 : i32
      %mul3A_178 = arith.muli %min3A_168, %mul3A_177 : i32
      %add3A_179 = arith.addi %mul3A_2, %mul3A_178 : i32
      %dma_start3A_180 = arith.constant 0 : i32
      %dma_start3A_181 = tpu.memref_slice %arg3[%dma_start3A_180, %add3A_179] : memref<2x320000xi32, #tpu.memory_space<hbm>> -> memref<1x200xi32, #tpu.memory_space<hbm>>
      %dma_start3A_182 = tpu.memref_squeeze %dma_start3A_181 : memref<1x200xi32, #tpu.memory_space<hbm>> -> memref<200xi32, #tpu.memory_space<hbm>>
      %dma_start3A_183 = tpu.memref_slice %arg3[%dma_start3A_180, %add3A_179] : memref<2x320000xi32, #tpu.memory_space<hbm>> -> memref<1x200xi32, #tpu.memory_space<hbm>>
      %dma_start3A_184 = tpu.memref_squeeze %dma_start3A_183 : memref<1x200xi32, #tpu.memory_space<hbm>> -> memref<200xi32, #tpu.memory_space<hbm>>
      tpu.enqueue_dma source(%dma_start3A_184 : memref<200xi32, #tpu.memory_space<hbm>>) target(%arg10 : memref<200xi32, #tpu.memory_space<vmem>>) target_semaphore(%arg19 : memref<!tpu.dma_semaphore, #tpu.memory_space<semaphore_mem>>)
      %dma_wait3A_185 = arith.constant 0 : i32
      %dma_wait3A_186 = arith.constant 0 : i32
      %dma_wait3A_187 = tpu.memref_slice %arg3[%dma_wait3A_185, %dma_wait3A_186] : memref<2x320000xi32, #tpu.memory_space<hbm>> -> memref<1x200xi32, #tpu.memory_space<hbm>>
      %dma_wait3A_188 = tpu.memref_squeeze %dma_wait3A_187 : memref<1x200xi32, #tpu.memory_space<hbm>> -> memref<200xi32, #tpu.memory_space<hbm>>
      %dma_wait3A_189 = arith.constant 0 : i32
      %dma_wait3A_190 = tpu.memref_slice %arg3[%dma_wait3A_185, %dma_wait3A_189] : memref<2x320000xi32, #tpu.memory_space<hbm>> -> memref<1x200xi32, #tpu.memory_space<hbm>>
      %dma_wait3A_191 = tpu.memref_squeeze %dma_wait3A_190 : memref<1x200xi32, #tpu.memory_space<hbm>> -> memref<200xi32, #tpu.memory_space<hbm>>
      tpu.wait_dma2 semaphore(%arg21 : memref<!tpu.dma_semaphore, #tpu.memory_space<semaphore_mem>>) src(%dma_wait3A_191 : memref<200xi32, #tpu.memory_space<hbm>>) dst(%arg12 : memref<200xi32, #tpu.memory_space<vmem>>)
      %dma_wait3A_192 = arith.constant 0 : i32
      %dma_wait3A_193 = arith.constant 0 : i32
      %dma_wait3A_194 = tpu.memref_slice %arg3[%dma_wait3A_192, %dma_wait3A_193] : memref<2x320000xi32, #tpu.memory_space<hbm>> -> memref<1x200xi32, #tpu.memory_space<hbm>>
      %dma_wait3A_195 = tpu.memref_squeeze %dma_wait3A_194 : memref<1x200xi32, #tpu.memory_space<hbm>> -> memref<200xi32, #tpu.memory_space<hbm>>
      %dma_wait3A_196 = arith.constant 0 : i32
      %dma_wait3A_197 = tpu.memref_slice %arg3[%dma_wait3A_192, %dma_wait3A_196] : memref<2x320000xi32, #tpu.memory_space<hbm>> -> memref<1x200xi32, #tpu.memory_space<hbm>>
      %dma_wait3A_198 = tpu.memref_squeeze %dma_wait3A_197 : memref<1x200xi32, #tpu.memory_space<hbm>> -> memref<200xi32, #tpu.memory_space<hbm>>
      tpu.wait_dma2 semaphore(%arg21 : memref<!tpu.dma_semaphore, #tpu.memory_space<semaphore_mem>>) src(%dma_wait3A_198 : memref<200xi32, #tpu.memory_space<hbm>>) dst(%arg12 : memref<200xi32, #tpu.memory_space<vmem>>)
      %dma_start3A_199 = arith.constant 0 : i32
      %dma_start3A_200 = arith.constant 0 : i32
      %dma_start3A_201 = tpu.memref_slice %arg2[%dma_start3A_199, %dma_start3A_200] : memref<10000x112xf32, #tpu.memory_space<hbm>> -> memref<10000x112xf32, #tpu.memory_space<hbm>>
      tpu.enqueue_indirect_dma source(%dma_start3A_201 : memref<10000x112xf32, #tpu.memory_space<hbm>>) target(%arg14 : memref<200x112xf32, #tpu.memory_space<vmem>>) offsets(%arg8 : memref<200xi32, #tpu.memory_space<vmem>>) semaphore(%arg17 : memref<!tpu.dma_semaphore, #tpu.memory_space<semaphore_mem>>)
      %dma_wait3A_202 = arith.constant 0 : i32
      %dma_wait3A_203 = arith.constant 0 : i32
      %dma_wait3A_204 = tpu.memref_slice %arg2[%dma_wait3A_202, %dma_wait3A_203] : memref<10000x112xf32, #tpu.memory_space<hbm>> -> memref<10000x112xf32, #tpu.memory_space<hbm>>
      tpu.wait_indirect_dma semaphore(%arg16 : memref<!tpu.dma_semaphore, #tpu.memory_space<semaphore_mem>>) src(%dma_wait3A_204 : memref<10000x112xf32, #tpu.memory_space<hbm>>) dst(%arg13 : memref<200x112xf32, #tpu.memory_space<vmem>>)
      "tpu.region"() ({
        %run_scoped3A_286 = tpu.sem_alloc : memref<!tpu.dma_semaphore, #tpu.memory_space<semaphore_mem>>
        %dma_start3A_287 = arith.constant 0 : i32
        %dma_start3A_288 = arith.constant 0 : i32
        %dma_start3A_289 = tpu.memref_slice %arg15[%dma_start3A_287, %dma_start3A_288] : memref<10240x112xf32, #tpu.memory_space<vmem_shared>> -> memref<10240x112xf32, #tpu.memory_space<vmem_shared>>
        tpu.enqueue_indirect_dma source(%arg13 : memref<200x112xf32, #tpu.memory_space<vmem>>) target(%dma_start3A_289 : memref<10240x112xf32, #tpu.memory_space<vmem_shared>>) offsets(%arg11 : memref<200xi32, #tpu.memory_space<vmem>>) semaphore(%run_scoped3A_286 : memref<!tpu.dma_semaphore, #tpu.memory_space<semaphore_mem>>) {add = true}
        %dma_wait3A_290 = arith.constant 0 : i32
        %dma_wait3A_291 = arith.constant 0 : i32
        %dma_wait3A_292 = tpu.memref_slice %arg15[%dma_wait3A_290, %dma_wait3A_291] : memref<10240x112xf32, #tpu.memory_space<vmem_shared>> -> memref<10240x112xf32, #tpu.memory_space<vmem_shared>>
        tpu.wait_indirect_dma semaphore(%run_scoped3A_286 : memref<!tpu.dma_semaphore, #tpu.memory_space<semaphore_mem>>) src(%arg13 : memref<200x112xf32, #tpu.memory_space<vmem>>) dst(%dma_wait3A_292 : memref<10240x112xf32, #tpu.memory_space<vmem_shared>>)
        tpu.yield
      }) : () -> ()
      %add3A_205 = arith.constant 2 : i32
      %add3A_206 = arith.addi %mul3A_117, %add3A_205 : i32
      %add3A_207 = arith.constant 4 : i32
      %add3A_208 = arith.addi %add3A_206, %add3A_207 : i32
      %min3A_209 = arith.constant 49 : i32
      %min3A_210 = arith.minsi %add3A_208, %min3A_209 : i32
      %mul3A_211 = arith.constant 200 : i32
      %mul3A_212 = arith.muli %min3A_210, %mul3A_211 : i32
      %add3A_213 = arith.addi %mul3A_2, %mul3A_212 : i32
      %dma_start3A_214 = arith.constant 1 : i32
      %dma_start3A_215 = tpu.memref_slice %arg3[%dma_start3A_214, %add3A_213] : memref<2x320000xi32, #tpu.memory_space<hbm>> -> memref<1x200xi32, #tpu.memory_space<hbm>>
      %dma_start3A_216 = tpu.memref_squeeze %dma_start3A_215 : memref<1x200xi32, #tpu.memory_space<hbm>> -> memref<200xi32, #tpu.memory_space<hbm>>
      %dma_start3A_217 = tpu.memref_slice %arg3[%dma_start3A_214, %add3A_213] : memref<2x320000xi32, #tpu.memory_space<hbm>> -> memref<1x200xi32, #tpu.memory_space<hbm>>
      %dma_start3A_218 = tpu.memref_squeeze %dma_start3A_217 : memref<1x200xi32, #tpu.memory_space<hbm>> -> memref<200xi32, #tpu.memory_space<hbm>>
      tpu.enqueue_dma source(%dma_start3A_218 : memref<200xi32, #tpu.memory_space<hbm>>) target(%arg7 : memref<200xi32, #tpu.memory_space<vmem>>) target_semaphore(%arg20 : memref<!tpu.dma_semaphore, #tpu.memory_space<semaphore_mem>>)
      %mul3A_219 = arith.constant 200 : i32
      %mul3A_220 = arith.muli %min3A_210, %mul3A_219 : i32
      %add3A_221 = arith.addi %mul3A_2, %mul3A_220 : i32
      %dma_start3A_222 = arith.constant 0 : i32
      %dma_start3A_223 = tpu.memref_slice %arg3[%dma_start3A_222, %add3A_221] : memref<2x320000xi32, #tpu.memory_space<hbm>> -> memref<1x200xi32, #tpu.memory_space<hbm>>
      %dma_start3A_224 = tpu.memref_squeeze %dma_start3A_223 : memref<1x200xi32, #tpu.memory_space<hbm>> -> memref<200xi32, #tpu.memory_space<hbm>>
      %dma_start3A_225 = tpu.memref_slice %arg3[%dma_start3A_222, %add3A_221] : memref<2x320000xi32, #tpu.memory_space<hbm>> -> memref<1x200xi32, #tpu.memory_space<hbm>>
      %dma_start3A_226 = tpu.memref_squeeze %dma_start3A_225 : memref<1x200xi32, #tpu.memory_space<hbm>> -> memref<200xi32, #tpu.memory_space<hbm>>
      tpu.enqueue_dma source(%dma_start3A_226 : memref<200xi32, #tpu.memory_space<hbm>>) target(%arg11 : memref<200xi32, #tpu.memory_space<vmem>>) target_semaphore(%arg20 : memref<!tpu.dma_semaphore, #tpu.memory_space<semaphore_mem>>)
      %dma_wait3A_227 = arith.constant 0 : i32
      %dma_wait3A_228 = arith.constant 0 : i32
      %dma_wait3A_229 = tpu.memref_slice %arg3[%dma_wait3A_227, %dma_wait3A_228] : memref<2x320000xi32, #tpu.memory_space<hbm>> -> memref<1x200xi32, #tpu.memory_space<hbm>>
      %dma_wait3A_230 = tpu.memref_squeeze %dma_wait3A_229 : memref<1x200xi32, #tpu.memory_space<hbm>> -> memref<200xi32, #tpu.memory_space<hbm>>
      %dma_wait3A_231 = arith.constant 0 : i32
      %dma_wait3A_232 = tpu.memref_slice %arg3[%dma_wait3A_227, %dma_wait3A_231] : memref<2x320000xi32, #tpu.memory_space<hbm>> -> memref<1x200xi32, #tpu.memory_space<hbm>>
      %dma_wait3A_233 = tpu.memref_squeeze %dma_wait3A_232 : memref<1x200xi32, #tpu.memory_space<hbm>> -> memref<200xi32, #tpu.memory_space<hbm>>
      tpu.wait_dma2 semaphore(%arg18 : memref<!tpu.dma_semaphore, #tpu.memory_space<semaphore_mem>>) src(%dma_wait3A_233 : memref<200xi32, #tpu.memory_space<hbm>>) dst(%arg9 : memref<200xi32, #tpu.memory_space<vmem>>)
      %dma_wait3A_234 = arith.constant 0 : i32
      %dma_wait3A_235 = arith.constant 0 : i32
      %dma_wait3A_236 = tpu.memref_slice %arg3[%dma_wait3A_234, %dma_wait3A_235] : memref<2x320000xi32, #tpu.memory_space<hbm>> -> memref<1x200xi32, #tpu.memory_space<hbm>>
      %dma_wait3A_237 = tpu.memref_squeeze %dma_wait3A_236 : memref<1x200xi32, #tpu.memory_space<hbm>> -> memref<200xi32, #tpu.memory_space<hbm>>
      %dma_wait3A_238 = arith.constant 0 : i32
      %dma_wait3A_239 = tpu.memref_slice %arg3[%dma_wait3A_234, %dma_wait3A_238] : memref<2x320000xi32, #tpu.memory_space<hbm>> -> memref<1x200xi32, #tpu.memory_space<hbm>>
      %dma_wait3A_240 = tpu.memref_squeeze %dma_wait3A_239 : memref<1x200xi32, #tpu.memory_space<hbm>> -> memref<200xi32, #tpu.memory_space<hbm>>
      tpu.wait_dma2 semaphore(%arg18 : memref<!tpu.dma_semaphore, #tpu.memory_space<semaphore_mem>>) src(%dma_wait3A_240 : memref<200xi32, #tpu.memory_space<hbm>>) dst(%arg9 : memref<200xi32, #tpu.memory_space<vmem>>)
      %dma_start3A_241 = arith.constant 0 : i32
      %dma_start3A_242 = arith.constant 0 : i32
      %dma_start3A_243 = tpu.memref_slice %arg2[%dma_start3A_241, %dma_start3A_242] : memref<10000x112xf32, #tpu.memory_space<hbm>> -> memref<10000x112xf32, #tpu.memory_space<hbm>>
      tpu.enqueue_indirect_dma source(%dma_start3A_243 : memref<10000x112xf32, #tpu.memory_space<hbm>>) target(%arg13 : memref<200x112xf32, #tpu.memory_space<vmem>>) offsets(%arg5 : memref<200xi32, #tpu.memory_space<vmem>>) semaphore(%arg16 : memref<!tpu.dma_semaphore, #tpu.memory_space<semaphore_mem>>)
      %dma_wait3A_244 = arith.constant 0 : i32
      %dma_wait3A_245 = arith.constant 0 : i32
      %dma_wait3A_246 = tpu.memref_slice %arg2[%dma_wait3A_244, %dma_wait3A_245] : memref<10000x112xf32, #tpu.memory_space<hbm>> -> memref<10000x112xf32, #tpu.memory_space<hbm>>
      tpu.wait_indirect_dma semaphore(%arg17 : memref<!tpu.dma_semaphore, #tpu.memory_space<semaphore_mem>>) src(%dma_wait3A_246 : memref<10000x112xf32, #tpu.memory_space<hbm>>) dst(%arg14 : memref<200x112xf32, #tpu.memory_space<vmem>>)
      "tpu.region"() ({
        %run_scoped3A_286 = tpu.sem_alloc : memref<!tpu.dma_semaphore, #tpu.memory_space<semaphore_mem>>
        %dma_start3A_287 = arith.constant 0 : i32
        %dma_start3A_288 = arith.constant 0 : i32
        %dma_start3A_289 = tpu.memref_slice %arg15[%dma_start3A_287, %dma_start3A_288] : memref<10240x112xf32, #tpu.memory_space<vmem_shared>> -> memref<10240x112xf32, #tpu.memory_space<vmem_shared>>
        tpu.enqueue_indirect_dma source(%arg14 : memref<200x112xf32, #tpu.memory_space<vmem>>) target(%dma_start3A_289 : memref<10240x112xf32, #tpu.memory_space<vmem_shared>>) offsets(%arg12 : memref<200xi32, #tpu.memory_space<vmem>>) semaphore(%run_scoped3A_286 : memref<!tpu.dma_semaphore, #tpu.memory_space<semaphore_mem>>) {add = true}
        %dma_wait3A_290 = arith.constant 0 : i32
        %dma_wait3A_291 = arith.constant 0 : i32
        %dma_wait3A_292 = tpu.memref_slice %arg15[%dma_wait3A_290, %dma_wait3A_291] : memref<10240x112xf32, #tpu.memory_space<vmem_shared>> -> memref<10240x112xf32, #tpu.memory_space<vmem_shared>>
        tpu.wait_indirect_dma semaphore(%run_scoped3A_286 : memref<!tpu.dma_semaphore, #tpu.memory_space<semaphore_mem>>) src(%arg14 : memref<200x112xf32, #tpu.memory_space<vmem>>) dst(%dma_wait3A_292 : memref<10240x112xf32, #tpu.memory_space<vmem_shared>>)
        tpu.yield
      }) : () -> ()
      %add3A_247 = arith.constant 3 : i32
      %add3A_248 = arith.addi %mul3A_117, %add3A_247 : i32
      %add3A_249 = arith.constant 4 : i32
      %add3A_250 = arith.addi %add3A_248, %add3A_249 : i32
      %min3A_251 = arith.constant 49 : i32
      %min3A_252 = arith.minsi %add3A_250, %min3A_251 : i32
      %mul3A_253 = arith.constant 200 : i32
      %mul3A_254 = arith.muli %min3A_252, %mul3A_253 : i32
      %add3A_255 = arith.addi %mul3A_2, %mul3A_254 : i32
      %dma_start3A_256 = arith.constant 1 : i32
      %dma_start3A_257 = tpu.memref_slice %arg3[%dma_start3A_256, %add3A_255] : memref<2x320000xi32, #tpu.memory_space<hbm>> -> memref<1x200xi32, #tpu.memory_space<hbm>>
      %dma_start3A_258 = tpu.memref_squeeze %dma_start3A_257 : memref<1x200xi32, #tpu.memory_space<hbm>> -> memref<200xi32, #tpu.memory_space<hbm>>
      %dma_start3A_259 = tpu.memref_slice %arg3[%dma_start3A_256, %add3A_255] : memref<2x320000xi32, #tpu.memory_space<hbm>> -> memref<1x200xi32, #tpu.memory_space<hbm>>
      %dma_start3A_260 = tpu.memref_squeeze %dma_start3A_259 : memref<1x200xi32, #tpu.memory_space<hbm>> -> memref<200xi32, #tpu.memory_space<hbm>>
      tpu.enqueue_dma source(%dma_start3A_260 : memref<200xi32, #tpu.memory_space<hbm>>) target(%arg8 : memref<200xi32, #tpu.memory_space<vmem>>) target_semaphore(%arg21 : memref<!tpu.dma_semaphore, #tpu.memory_space<semaphore_mem>>)
      %mul3A_261 = arith.constant 200 : i32
      %mul3A_262 = arith.muli %min3A_252, %mul3A_261 : i32
      %add3A_263 = arith.addi %mul3A_2, %mul3A_262 : i32
      %dma_start3A_264 = arith.constant 0 : i32
      %dma_start3A_265 = tpu.memref_slice %arg3[%dma_start3A_264, %add3A_263] : memref<2x320000xi32, #tpu.memory_space<hbm>> -> memref<1x200xi32, #tpu.memory_space<hbm>>
      %dma_start3A_266 = tpu.memref_squeeze %dma_start3A_265 : memref<1x200xi32, #tpu.memory_space<hbm>> -> memref<200xi32, #tpu.memory_space<hbm>>
      %dma_start3A_267 = tpu.memref_slice %arg3[%dma_start3A_264, %add3A_263] : memref<2x320000xi32, #tpu.memory_space<hbm>> -> memref<1x200xi32, #tpu.memory_space<hbm>>
      %dma_start3A_268 = tpu.memref_squeeze %dma_start3A_267 : memref<1x200xi32, #tpu.memory_space<hbm>> -> memref<200xi32, #tpu.memory_space<hbm>>
      tpu.enqueue_dma source(%dma_start3A_268 : memref<200xi32, #tpu.memory_space<hbm>>) target(%arg12 : memref<200xi32, #tpu.memory_space<vmem>>) target_semaphore(%arg21 : memref<!tpu.dma_semaphore, #tpu.memory_space<semaphore_mem>>)
      %dma_wait3A_269 = arith.constant 0 : i32
      %dma_wait3A_270 = arith.constant 0 : i32
      %dma_wait3A_271 = tpu.memref_slice %arg3[%dma_wait3A_269, %dma_wait3A_270] : memref<2x320000xi32, #tpu.memory_space<hbm>> -> memref<1x200xi32, #tpu.memory_space<hbm>>
      %dma_wait3A_272 = tpu.memref_squeeze %dma_wait3A_271 : memref<1x200xi32, #tpu.memory_space<hbm>> -> memref<200xi32, #tpu.memory_space<hbm>>
      %dma_wait3A_273 = arith.constant 0 : i32
      %dma_wait3A_274 = tpu.memref_slice %arg3[%dma_wait3A_269, %dma_wait3A_273] : memref<2x320000xi32, #tpu.memory_space<hbm>> -> memref<1x200xi32, #tpu.memory_space<hbm>>
      %dma_wait3A_275 = tpu.memref_squeeze %dma_wait3A_274 : memref<1x200xi32, #tpu.memory_space<hbm>> -> memref<200xi32, #tpu.memory_space<hbm>>
      tpu.wait_dma2 semaphore(%arg19 : memref<!tpu.dma_semaphore, #tpu.memory_space<semaphore_mem>>) src(%dma_wait3A_275 : memref<200xi32, #tpu.memory_space<hbm>>) dst(%arg10 : memref<200xi32, #tpu.memory_space<vmem>>)
      %dma_wait3A_276 = arith.constant 0 : i32
      %dma_wait3A_277 = arith.constant 0 : i32
      %dma_wait3A_278 = tpu.memref_slice %arg3[%dma_wait3A_276, %dma_wait3A_277] : memref<2x320000xi32, #tpu.memory_space<hbm>> -> memref<1x200xi32, #tpu.memory_space<hbm>>
      %dma_wait3A_279 = tpu.memref_squeeze %dma_wait3A_278 : memref<1x200xi32, #tpu.memory_space<hbm>> -> memref<200xi32, #tpu.memory_space<hbm>>
      %dma_wait3A_280 = arith.constant 0 : i32
      %dma_wait3A_281 = tpu.memref_slice %arg3[%dma_wait3A_276, %dma_wait3A_280] : memref<2x320000xi32, #tpu.memory_space<hbm>> -> memref<1x200xi32, #tpu.memory_space<hbm>>
      %dma_wait3A_282 = tpu.memref_squeeze %dma_wait3A_281 : memref<1x200xi32, #tpu.memory_space<hbm>> -> memref<200xi32, #tpu.memory_space<hbm>>
      tpu.wait_dma2 semaphore(%arg19 : memref<!tpu.dma_semaphore, #tpu.memory_space<semaphore_mem>>) src(%dma_wait3A_282 : memref<200xi32, #tpu.memory_space<hbm>>) dst(%arg10 : memref<200xi32, #tpu.memory_space<vmem>>)
      %dma_start3A_283 = arith.constant 0 : i32
      %dma_start3A_284 = arith.constant 0 : i32
      %dma_start3A_285 = tpu.memref_slice %arg2[%dma_start3A_283, %dma_start3A_284] : memref<10000x112xf32, #tpu.memory_space<hbm>> -> memref<10000x112xf32, #tpu.memory_space<hbm>>
      tpu.enqueue_indirect_dma source(%dma_start3A_285 : memref<10000x112xf32, #tpu.memory_space<hbm>>) target(%arg14 : memref<200x112xf32, #tpu.memory_space<vmem>>) offsets(%arg6 : memref<200xi32, #tpu.memory_space<vmem>>) semaphore(%arg17 : memref<!tpu.dma_semaphore, #tpu.memory_space<semaphore_mem>>)
    }
    %scan3A_77 = arith.constant 12 : i32
    %dma_wait3A = arith.constant 0 : i32
    %dma_wait3A_78 = arith.constant 0 : i32
    %dma_wait3A_79 = tpu.memref_slice %arg2[%dma_wait3A, %dma_wait3A_78] : memref<10000x112xf32, #tpu.memory_space<hbm>> -> memref<10000x112xf32, #tpu.memory_space<hbm>>
    tpu.wait_indirect_dma semaphore(%arg16 : memref<!tpu.dma_semaphore, #tpu.memory_space<semaphore_mem>>) src(%dma_wait3A_79 : memref<10000x112xf32, #tpu.memory_space<hbm>>) dst(%arg13 : memref<200x112xf32, #tpu.memory_space<vmem>>)
    "tpu.region"() ({
      %run_scoped3A_115 = tpu.sem_alloc : memref<!tpu.dma_semaphore, #tpu.memory_space<semaphore_mem>>
      %dma_start3A_116 = arith.constant 0 : i32
      %dma_start3A_117 = arith.constant 0 : i32
      %dma_start3A_118 = tpu.memref_slice %arg15[%dma_start3A_116, %dma_start3A_117] : memref<10240x112xf32, #tpu.memory_space<vmem_shared>> -> memref<10240x112xf32, #tpu.memory_space<vmem_shared>>
      tpu.enqueue_indirect_dma source(%arg13 : memref<200x112xf32, #tpu.memory_space<vmem>>) target(%dma_start3A_118 : memref<10240x112xf32, #tpu.memory_space<vmem_shared>>) offsets(%arg9 : memref<200xi32, #tpu.memory_space<vmem>>) semaphore(%run_scoped3A_115 : memref<!tpu.dma_semaphore, #tpu.memory_space<semaphore_mem>>) {add = true}
      %dma_wait3A_119 = arith.constant 0 : i32
      %dma_wait3A_120 = arith.constant 0 : i32
      %dma_wait3A_121 = tpu.memref_slice %arg15[%dma_wait3A_119, %dma_wait3A_120] : memref<10240x112xf32, #tpu.memory_space<vmem_shared>> -> memref<10240x112xf32, #tpu.memory_space<vmem_shared>>
      tpu.wait_indirect_dma semaphore(%run_scoped3A_115 : memref<!tpu.dma_semaphore, #tpu.memory_space<semaphore_mem>>) src(%arg13 : memref<200x112xf32, #tpu.memory_space<vmem>>) dst(%dma_wait3A_121 : memref<10240x112xf32, #tpu.memory_space<vmem_shared>>)
      tpu.yield
    }) : () -> ()
    %dma_wait3A_80 = arith.constant 0 : i32
    %dma_wait3A_81 = arith.constant 0 : i32
    %dma_wait3A_82 = tpu.memref_slice %arg2[%dma_wait3A_80, %dma_wait3A_81] : memref<10000x112xf32, #tpu.memory_space<hbm>> -> memref<10000x112xf32, #tpu.memory_space<hbm>>
    tpu.wait_indirect_dma semaphore(%arg17 : memref<!tpu.dma_semaphore, #tpu.memory_space<semaphore_mem>>) src(%dma_wait3A_82 : memref<10000x112xf32, #tpu.memory_space<hbm>>) dst(%arg14 : memref<200x112xf32, #tpu.memory_space<vmem>>)
    "tpu.region"() ({
      %run_scoped3A_115 = tpu.sem_alloc : memref<!tpu.dma_semaphore, #tpu.memory_space<semaphore_mem>>
      %dma_start3A_116 = arith.constant 0 : i32
      %dma_start3A_117 = arith.constant 0 : i32
      %dma_start3A_118 = tpu.memref_slice %arg15[%dma_start3A_116, %dma_start3A_117] : memref<10240x112xf32, #tpu.memory_space<vmem_shared>> -> memref<10240x112xf32, #tpu.memory_space<vmem_shared>>
      tpu.enqueue_indirect_dma source(%arg14 : memref<200x112xf32, #tpu.memory_space<vmem>>) target(%dma_start3A_118 : memref<10240x112xf32, #tpu.memory_space<vmem_shared>>) offsets(%arg10 : memref<200xi32, #tpu.memory_space<vmem>>) semaphore(%run_scoped3A_115 : memref<!tpu.dma_semaphore, #tpu.memory_space<semaphore_mem>>) {add = true}
      %dma_wait3A_119 = arith.constant 0 : i32
      %dma_wait3A_120 = arith.constant 0 : i32
      %dma_wait3A_121 = tpu.memref_slice %arg15[%dma_wait3A_119, %dma_wait3A_120] : memref<10240x112xf32, #tpu.memory_space<vmem_shared>> -> memref<10240x112xf32, #tpu.memory_space<vmem_shared>>
      tpu.wait_indirect_dma semaphore(%run_scoped3A_115 : memref<!tpu.dma_semaphore, #tpu.memory_space<semaphore_mem>>) src(%arg14 : memref<200x112xf32, #tpu.memory_space<vmem>>) dst(%dma_wait3A_121 : memref<10240x112xf32, #tpu.memory_space<vmem_shared>>)
      tpu.yield
    }) : () -> ()
    %dma_wait3A_83 = arith.constant 0 : i32
    %dma_wait3A_84 = arith.constant 0 : i32
    %dma_wait3A_85 = tpu.memref_slice %arg3[%dma_wait3A_83, %dma_wait3A_84] : memref<2x320000xi32, #tpu.memory_space<hbm>> -> memref<1x200xi32, #tpu.memory_space<hbm>>
    %dma_wait3A_86 = tpu.memref_squeeze %dma_wait3A_85 : memref<1x200xi32, #tpu.memory_space<hbm>> -> memref<200xi32, #tpu.memory_space<hbm>>
    %dma_wait3A_87 = arith.constant 0 : i32
    %dma_wait3A_88 = tpu.memref_slice %arg3[%dma_wait3A_83, %dma_wait3A_87] : memref<2x320000xi32, #tpu.memory_space<hbm>> -> memref<1x200xi32, #tpu.memory_space<hbm>>
    %dma_wait3A_89 = tpu.memref_squeeze %dma_wait3A_88 : memref<1x200xi32, #tpu.memory_space<hbm>> -> memref<200xi32, #tpu.memory_space<hbm>>
    tpu.wait_dma2 semaphore(%arg20 : memref<!tpu.dma_semaphore, #tpu.memory_space<semaphore_mem>>) src(%dma_wait3A_89 : memref<200xi32, #tpu.memory_space<hbm>>) dst(%arg11 : memref<200xi32, #tpu.memory_space<vmem>>)
    %dma_wait3A_90 = arith.constant 0 : i32
    %dma_wait3A_91 = arith.constant 0 : i32
    %dma_wait3A_92 = tpu.memref_slice %arg3[%dma_wait3A_90, %dma_wait3A_91] : memref<2x320000xi32, #tpu.memory_space<hbm>> -> memref<1x200xi32, #tpu.memory_space<hbm>>
    %dma_wait3A_93 = tpu.memref_squeeze %dma_wait3A_92 : memref<1x200xi32, #tpu.memory_space<hbm>> -> memref<200xi32, #tpu.memory_space<hbm>>
    %dma_wait3A_94 = arith.constant 0 : i32
    %dma_wait3A_95 = tpu.memref_slice %arg3[%dma_wait3A_90, %dma_wait3A_94] : memref<2x320000xi32, #tpu.memory_space<hbm>> -> memref<1x200xi32, #tpu.memory_space<hbm>>
    %dma_wait3A_96 = tpu.memref_squeeze %dma_wait3A_95 : memref<1x200xi32, #tpu.memory_space<hbm>> -> memref<200xi32, #tpu.memory_space<hbm>>
    tpu.wait_dma2 semaphore(%arg20 : memref<!tpu.dma_semaphore, #tpu.memory_space<semaphore_mem>>) src(%dma_wait3A_96 : memref<200xi32, #tpu.memory_space<hbm>>) dst(%arg11 : memref<200xi32, #tpu.memory_space<vmem>>)
    %dma_wait3A_97 = arith.constant 0 : i32
    %dma_wait3A_98 = arith.constant 0 : i32
    %dma_wait3A_99 = tpu.memref_slice %arg3[%dma_wait3A_97, %dma_wait3A_98] : memref<2x320000xi32, #tpu.memory_space<hbm>> -> memref<1x200xi32, #tpu.memory_space<hbm>>
    %dma_wait3A_100 = tpu.memref_squeeze %dma_wait3A_99 : memref<1x200xi32, #tpu.memory_space<hbm>> -> memref<200xi32, #tpu.memory_space<hbm>>
    %dma_wait3A_101 = arith.constant 0 : i32
    %dma_wait3A_102 = tpu.memref_slice %arg3[%dma_wait3A_97, %dma_wait3A_101] : memref<2x320000xi32, #tpu.memory_space<hbm>> -> memref<1x200xi32, #tpu.memory_space<hbm>>
    %dma_wait3A_103 = tpu.memref_squeeze %dma_wait3A_102 : memref<1x200xi32, #tpu.memory_space<hbm>> -> memref<200xi32, #tpu.memory_space<hbm>>
    tpu.wait_dma2 semaphore(%arg21 : memref<!tpu.dma_semaphore, #tpu.memory_space<semaphore_mem>>) src(%dma_wait3A_103 : memref<200xi32, #tpu.memory_space<hbm>>) dst(%arg12 : memref<200xi32, #tpu.memory_space<vmem>>)
    %dma_wait3A_104 = arith.constant 0 : i32
    %dma_wait3A_105 = arith.constant 0 : i32
    %dma_wait3A_106 = tpu.memref_slice %arg3[%dma_wait3A_104, %dma_wait3A_105] : memref<2x320000xi32, #tpu.memory_space<hbm>> -> memref<1x200xi32, #tpu.memory_space<hbm>>
    %dma_wait3A_107 = tpu.memref_squeeze %dma_wait3A_106 : memref<1x200xi32, #tpu.memory_space<hbm>> -> memref<200xi32, #tpu.memory_space<hbm>>
    %dma_wait3A_108 = arith.constant 0 : i32
    %dma_wait3A_109 = tpu.memref_slice %arg3[%dma_wait3A_104, %dma_wait3A_108] : memref<2x320000xi32, #tpu.memory_space<hbm>> -> memref<1x200xi32, #tpu.memory_space<hbm>>
    %dma_wait3A_110 = tpu.memref_squeeze %dma_wait3A_109 : memref<1x200xi32, #tpu.memory_space<hbm>> -> memref<200xi32, #tpu.memory_space<hbm>>
    tpu.wait_dma2 semaphore(%arg21 : memref<!tpu.dma_semaphore, #tpu.memory_space<semaphore_mem>>) src(%dma_wait3A_110 : memref<200xi32, #tpu.memory_space<hbm>>) dst(%arg12 : memref<200xi32, #tpu.memory_space<vmem>>)
    %barrier3A_111 = arith.constant 0 : index
    tpu.barrier barrier_id(%barrier3A_111)
    %mul3A_112 = arith.constant 10240 : i32
    %mul3A_113 = arith.muli %arg0, %mul3A_112 : i32
    %add3A_114 = arith.addi %mul3A_113, %mul3A_4 : i32
    "tpu.region"() ({
      %run_scoped3A_115 = tpu.sem_alloc : memref<!tpu.dma_semaphore, #tpu.memory_space<semaphore_mem>>
      %dma_start3A_116 = arith.constant 0 : i32
      %dma_start3A_117 = tpu.memref_slice %arg4[%add3A_114, %dma_start3A_116] : memref<20480x112xf32, #tpu.memory_space<hbm>> -> memref<640x112xf32, #tpu.memory_space<hbm>>
      %dma_start3A_118 = arith.constant 0 : i32
      %dma_start3A_119 = tpu.memref_slice %arg15[%mul3A_4, %dma_start3A_118] : memref<10240x112xf32, #tpu.memory_space<vmem_shared>> -> memref<640x112xf32, #tpu.memory_space<vmem_shared>>
      tpu.enqueue_dma source(%dma_start3A_119 : memref<640x112xf32, #tpu.memory_space<vmem_shared>>) target(%dma_start3A_117 : memref<640x112xf32, #tpu.memory_space<hbm>>) target_semaphore(%run_scoped3A_115 : memref<!tpu.dma_semaphore, #tpu.memory_space<semaphore_mem>>)
      %dma_wait3A_120 = arith.constant 0 : i32
      %dma_wait3A_121 = tpu.memref_slice %arg4[%add3A_114, %dma_wait3A_120] : memref<20480x112xf32, #tpu.memory_space<hbm>> -> memref<640x112xf32, #tpu.memory_space<hbm>>
      %dma_wait3A_122 = arith.constant 0 : i32
      %dma_wait3A_123 = tpu.memref_slice %arg15[%mul3A_4, %dma_wait3A_122] : memref<10240x112xf32, #tpu.memory_space<vmem_shared>> -> memref<640x112xf32, #tpu.memory_space<vmem_shared>>
      tpu.wait_dma2 semaphore(%run_scoped3A_115 : memref<!tpu.dma_semaphore, #tpu.memory_space<semaphore_mem>>) src(%dma_wait3A_123 : memref<640x112xf32, #tpu.memory_space<vmem_shared>>) dst(%dma_wait3A_121 : memref<640x112xf32, #tpu.memory_space<hbm>>)
      tpu.yield
    }) : () -> ()
    return
  }
}

module attributes {stable_mosaic.version = 14 : i64} {
  func.func @_prepare_body(%arg0: memref<10000x128xf32, #tpu.memory_space<vmem>>, %arg1: memref<1x128xf32, #tpu.memory_space<vmem>>, %arg2: memref<1x128xf32, #tpu.memory_space<vmem>>, %arg3: memref<1x128xf32, #tpu.memory_space<vmem>>, %arg4: memref<1x128xf32, #tpu.memory_space<vmem>>, %arg5: memref<128x112xf32, #tpu.memory_space<vmem>>, %arg6: memref<1x112xf32, #tpu.memory_space<vmem>>, %arg7: memref<10000x112xf32, #tpu.memory_space<vmem>>) attributes {dimension_semantics = [], scalar_prefetch = 0 : i64, scratch_operands = 0 : i64, tpu.core_type = #tpu.core_type<tc>} {
    %get3A = arith.constant 0 : index
    %get3A_0 = arith.constant 0 : index
    %get3A_1 = vector.load %arg0[%get3A, %get3A_0] : memref<10000x128xf32, #tpu.memory_space<vmem>>, vector<10000x128xf32>
    %get3A_2 = arith.constant 0 : index
    %get3A_3 = arith.constant 0 : index
    %get3A_4 = vector.load %arg3[%get3A_2, %get3A_3] : memref<1x128xf32, #tpu.memory_space<vmem>>, vector<1x128xf32>
    %sub3A = vector.broadcast %get3A_4 : vector<1x128xf32> to vector<10000x128xf32>
    %sub3A_5 = arith.subf %get3A_1, %sub3A : vector<10000x128xf32>
    %get3A_6 = arith.constant 0 : index
    %get3A_7 = arith.constant 0 : index
    %get3A_8 = vector.load %arg4[%get3A_6, %get3A_7] : memref<1x128xf32, #tpu.memory_space<vmem>>, vector<1x128xf32>
    %add3A = arith.constant 1.000000e-03 : f32
    %add3A_9 = vector.broadcast %add3A : f32 to vector<1x128xf32>
    %add3A_10 = arith.addf %get3A_8, %add3A_9 : vector<1x128xf32>
    %sqrt3A = math.sqrt %add3A_10 : vector<1x128xf32>
    %div3A = vector.broadcast %sqrt3A : vector<1x128xf32> to vector<10000x128xf32>
    %div3A_11 = arith.divf %sub3A_5, %div3A : vector<10000x128xf32>
    %get3A_12 = arith.constant 0 : index
    %get3A_13 = arith.constant 0 : index
    %get3A_14 = vector.load %arg1[%get3A_12, %get3A_13] : memref<1x128xf32, #tpu.memory_space<vmem>>, vector<1x128xf32>
    %mul3A = vector.broadcast %get3A_14 : vector<1x128xf32> to vector<10000x128xf32>
    %mul3A_15 = arith.mulf %div3A_11, %mul3A : vector<10000x128xf32>
    %get3A_16 = arith.constant 0 : index
    %get3A_17 = arith.constant 0 : index
    %get3A_18 = vector.load %arg2[%get3A_16, %get3A_17] : memref<1x128xf32, #tpu.memory_space<vmem>>, vector<1x128xf32>
    %add3A_19 = vector.broadcast %get3A_18 : vector<1x128xf32> to vector<10000x128xf32>
    %add3A_20 = arith.addf %mul3A_15, %add3A_19 : vector<10000x128xf32>
    %get3A_21 = arith.constant 0 : index
    %get3A_22 = arith.constant 0 : index
    %get3A_23 = vector.load %arg5[%get3A_21, %get3A_22] : memref<128x112xf32, #tpu.memory_space<vmem>>, vector<128x112xf32>
    %dot_general3A = arith.constant dense<0.000000e+00> : vector<10000x112xf32>
    %dot_general3A_24 = tpu.matmul %add3A_20, %get3A_23, %dot_general3A {dimension_numbers = #tpu.dot_dimension_numbers<[1], [0], [0], [1], [0, 0, 1, 1], [], []>, transpose_lhs_hint = false} : vector<10000x128xf32>, vector<128x112xf32>, vector<10000x112xf32> -> vector<10000x112xf32>
    %get3A_25 = arith.constant 0 : index
    %get3A_26 = arith.constant 0 : index
    %get3A_27 = vector.load %arg6[%get3A_25, %get3A_26] : memref<1x112xf32, #tpu.memory_space<vmem>>, vector<1x112xf32>
    %add3A_28 = vector.broadcast %get3A_27 : vector<1x112xf32> to vector<10000x112xf32>
    %add3A_29 = arith.addf %dot_general3A_24, %add3A_28 : vector<10000x112xf32>
    %mul3A_30 = arith.constant 5.000000e-01 : f32
    %mul3A_31 = vector.broadcast %mul3A_30 : f32 to vector<10000x112xf32>
    %mul3A_32 = arith.mulf %add3A_29, %mul3A_31 : vector<10000x112xf32>
    %mul3A_33 = arith.constant 0.707106769 : f32
    %mul3A_34 = vector.broadcast %mul3A_33 : f32 to vector<10000x112xf32>
    %mul3A_35 = arith.mulf %add3A_29, %mul3A_34 : vector<10000x112xf32>
    %erf3A = math.erf %mul3A_35 : vector<10000x112xf32>
    %add3A_36 = arith.constant 1.000000e+00 : f32
    %add3A_37 = vector.broadcast %add3A_36 : f32 to vector<10000x112xf32>
    %add3A_38 = arith.addf %add3A_37, %erf3A : vector<10000x112xf32>
    %mul3A_39 = arith.mulf %mul3A_32, %add3A_38 : vector<10000x112xf32>
    %iota3A = tpu.iota {dimensions = array<i32: 1>} : vector<10000x112xi32>
    %eq3A = arith.constant 111 : i32
    %eq3A_40 = vector.broadcast %eq3A : i32 to vector<10000x112xi32>
    %eq3A_41 = arith.cmpi eq, %iota3A, %eq3A_40 : vector<10000x112xi32>
    %jit3A = arith.constant 1.000000e+00 : f32
    %broadcast_in_dim3A = vector.broadcast %jit3A : f32 to vector<10000x112xf32>
    %select_n3A = arith.select %eq3A_41, %broadcast_in_dim3A, %mul3A_39 : vector<10000x112xi1>, vector<10000x112xf32>
    %swap3A = arith.constant 0 : index
    %swap3A_42 = arith.constant 0 : index
    %swap3A_43 = vector.load %arg7[%swap3A, %swap3A_42] : memref<10000x112xf32, #tpu.memory_space<vmem>>, vector<10000x112xf32>
    tpu.vector_store %arg7[%swap3A, %swap3A_42], %select_n3A {strides = array<i32>} : memref<10000x112xf32, #tpu.memory_space<vmem>>, vector<10000x112xf32>,
    return
  }
}

module attributes {stable_mosaic.version = 14 : i64} {
  func.func @_update_body(%arg0: memref<10000x128xf32, #tpu.memory_space<vmem>>, %arg1: memref<20480x112xf32, #tpu.memory_space<vmem>>, %arg2: memref<1x128xf32, #tpu.memory_space<vmem>>, %arg3: memref<1x128xf32, #tpu.memory_space<vmem>>, %arg4: memref<1x128xf32, #tpu.memory_space<vmem>>, %arg5: memref<1x128xf32, #tpu.memory_space<vmem>>, %arg6: memref<1x112xf32, #tpu.memory_space<vmem>>, %arg7: memref<1x112xf32, #tpu.memory_space<vmem>>, %arg8: memref<1x112xf32, #tpu.memory_space<vmem>>, %arg9: memref<1x112xf32, #tpu.memory_space<vmem>>, %arg10: memref<128x128xf32, #tpu.memory_space<vmem>>, %arg11: memref<112x128xf32, #tpu.memory_space<vmem>>, %arg12: memref<1x128xf32, #tpu.memory_space<vmem>>, %arg13: memref<10000x100xf32, #tpu.memory_space<vmem>>) attributes {dimension_semantics = [], scalar_prefetch = 0 : i64, scratch_operands = 0 : i64, tpu.core_type = #tpu.core_type<tc>} {
    %get3A = arith.constant 0 : index
    %get3A_0 = arith.constant 0 : index
    %get3A_1 = vector.load %arg1[%get3A, %get3A_0] : memref<20480x112xf32, #tpu.memory_space<vmem>>, vector<10000x112xf32>
    %get3A_2 = arith.constant 10240 : index
    %get3A_3 = arith.constant 0 : index
    %get3A_4 = vector.load %arg1[%get3A_2, %get3A_3] : memref<20480x112xf32, #tpu.memory_space<vmem>>, vector<10000x112xf32>
    %add3A = arith.addf %get3A_1, %get3A_4 : vector<10000x112xf32>
    %slice3A = vector.extract_strided_slice %add3A {offsets = [0, 111], sizes = [10000, 1], strides = [1, 1]} : vector<10000x112xf32> to vector<10000x1xf32>
    %gt3A = arith.constant 0.000000e+00 : f32
    %gt3A_5 = vector.broadcast %gt3A : f32 to vector<10000x1xf32>
    %gt3A_6 = arith.cmpf ogt, %slice3A, %gt3A_5 : vector<10000x1xf32>
    %max3A = arith.constant 1.000000e+00 : f32
    %max3A_7 = vector.broadcast %max3A : f32 to vector<10000x1xf32>
    %max3A_8 = arith.maximumf %slice3A, %max3A_7 : vector<10000x1xf32>
    %div3A = vector.broadcast %max3A_8 : vector<10000x1xf32> to vector<10000x112xf32>
    %div3A_9 = arith.divf %add3A, %div3A : vector<10000x112xf32>
    %jit3A = arith.constant 0.000000e+00 : f32
    %broadcast_in_dim3A = vector.shape_cast %gt3A_6 : vector<10000x1xi1> to vector<10000x1xi1>
    %broadcast_in_dim3A_10 = vector.broadcast %broadcast_in_dim3A : vector<10000x1xi1> to vector<10000x112xi1>
    %broadcast_in_dim3A_11 = vector.broadcast %jit3A : f32 to vector<10000x112xf32>
    %select_n3A = arith.select %broadcast_in_dim3A_10, %div3A_9, %broadcast_in_dim3A_11 : vector<10000x112xi1>, vector<10000x112xf32>
    %get3A_12 = arith.constant 0 : index
    %get3A_13 = arith.constant 0 : index
    %get3A_14 = vector.load %arg0[%get3A_12, %get3A_13] : memref<10000x128xf32, #tpu.memory_space<vmem>>, vector<10000x128xf32>
    %get3A_15 = arith.constant 0 : index
    %get3A_16 = arith.constant 0 : index
    %get3A_17 = vector.load %arg4[%get3A_15, %get3A_16] : memref<1x128xf32, #tpu.memory_space<vmem>>, vector<1x128xf32>
    %sub3A = vector.broadcast %get3A_17 : vector<1x128xf32> to vector<10000x128xf32>
    %sub3A_18 = arith.subf %get3A_14, %sub3A : vector<10000x128xf32>
    %get3A_19 = arith.constant 0 : index
    %get3A_20 = arith.constant 0 : index
    %get3A_21 = vector.load %arg5[%get3A_19, %get3A_20] : memref<1x128xf32, #tpu.memory_space<vmem>>, vector<1x128xf32>
    %add3A_22 = arith.constant 1.000000e-03 : f32
    %add3A_23 = vector.broadcast %add3A_22 : f32 to vector<1x128xf32>
    %add3A_24 = arith.addf %get3A_21, %add3A_23 : vector<1x128xf32>
    %sqrt3A = math.sqrt %add3A_24 : vector<1x128xf32>
    %div3A_25 = vector.broadcast %sqrt3A : vector<1x128xf32> to vector<10000x128xf32>
    %div3A_26 = arith.divf %sub3A_18, %div3A_25 : vector<10000x128xf32>
    %get3A_27 = arith.constant 0 : index
    %get3A_28 = arith.constant 0 : index
    %get3A_29 = vector.load %arg2[%get3A_27, %get3A_28] : memref<1x128xf32, #tpu.memory_space<vmem>>, vector<1x128xf32>
    %mul3A = vector.broadcast %get3A_29 : vector<1x128xf32> to vector<10000x128xf32>
    %mul3A_30 = arith.mulf %div3A_26, %mul3A : vector<10000x128xf32>
    %get3A_31 = arith.constant 0 : index
    %get3A_32 = arith.constant 0 : index
    %get3A_33 = vector.load %arg3[%get3A_31, %get3A_32] : memref<1x128xf32, #tpu.memory_space<vmem>>, vector<1x128xf32>
    %add3A_34 = vector.broadcast %get3A_33 : vector<1x128xf32> to vector<10000x128xf32>
    %add3A_35 = arith.addf %mul3A_30, %add3A_34 : vector<10000x128xf32>
    %get3A_36 = arith.constant 0 : index
    %get3A_37 = arith.constant 0 : index
    %get3A_38 = vector.load %arg8[%get3A_36, %get3A_37] : memref<1x112xf32, #tpu.memory_space<vmem>>, vector<1x112xf32>
    %sub3A_39 = vector.broadcast %get3A_38 : vector<1x112xf32> to vector<10000x112xf32>
    %sub3A_40 = arith.subf %select_n3A, %sub3A_39 : vector<10000x112xf32>
    %get3A_41 = arith.constant 0 : index
    %get3A_42 = arith.constant 0 : index
    %get3A_43 = vector.load %arg9[%get3A_41, %get3A_42] : memref<1x112xf32, #tpu.memory_space<vmem>>, vector<1x112xf32>
    %add3A_44 = arith.constant 1.000000e-03 : f32
    %add3A_45 = vector.broadcast %add3A_44 : f32 to vector<1x112xf32>
    %add3A_46 = arith.addf %get3A_43, %add3A_45 : vector<1x112xf32>
    %sqrt3A_47 = math.sqrt %add3A_46 : vector<1x112xf32>
    %div3A_48 = vector.broadcast %sqrt3A_47 : vector<1x112xf32> to vector<10000x112xf32>
    %div3A_49 = arith.divf %sub3A_40, %div3A_48 : vector<10000x112xf32>
    %get3A_50 = arith.constant 0 : index
    %get3A_51 = arith.constant 0 : index
    %get3A_52 = vector.load %arg6[%get3A_50, %get3A_51] : memref<1x112xf32, #tpu.memory_space<vmem>>, vector<1x112xf32>
    %mul3A_53 = vector.broadcast %get3A_52 : vector<1x112xf32> to vector<10000x112xf32>
    %mul3A_54 = arith.mulf %div3A_49, %mul3A_53 : vector<10000x112xf32>
    %get3A_55 = arith.constant 0 : index
    %get3A_56 = arith.constant 0 : index
    %get3A_57 = vector.load %arg7[%get3A_55, %get3A_56] : memref<1x112xf32, #tpu.memory_space<vmem>>, vector<1x112xf32>
    %add3A_58 = vector.broadcast %get3A_57 : vector<1x112xf32> to vector<10000x112xf32>
    %add3A_59 = arith.addf %mul3A_54, %add3A_58 : vector<10000x112xf32>
    %get3A_60 = arith.constant 0 : index
    %get3A_61 = arith.constant 0 : index
    %get3A_62 = vector.load %arg10[%get3A_60, %get3A_61] : memref<128x128xf32, #tpu.memory_space<vmem>>, vector<128x128xf32>
    %dot_general3A = arith.constant dense<0.000000e+00> : vector<10000x128xf32>
    %dot_general3A_63 = tpu.matmul %add3A_35, %get3A_62, %dot_general3A {dimension_numbers = #tpu.dot_dimension_numbers<[1], [0], [0], [1], [0, 0, 1, 1], [], []>, transpose_lhs_hint = false} : vector<10000x128xf32>, vector<128x128xf32>, vector<10000x128xf32> -> vector<10000x128xf32>
    %get3A_64 = arith.constant 0 : index
    %get3A_65 = arith.constant 0 : index
    %get3A_66 = vector.load %arg11[%get3A_64, %get3A_65] : memref<112x128xf32, #tpu.memory_space<vmem>>, vector<112x128xf32>
    %dot_general3A_67 = arith.constant dense<0.000000e+00> : vector<10000x128xf32>
    %dot_general3A_68 = tpu.matmul %add3A_59, %get3A_66, %dot_general3A_67 {dimension_numbers = #tpu.dot_dimension_numbers<[1], [0], [0], [1], [0, 0, 1, 1], [], []>, transpose_lhs_hint = false} : vector<10000x112xf32>, vector<112x128xf32>, vector<10000x128xf32> -> vector<10000x128xf32>
    %add3A_69 = arith.addf %dot_general3A_63, %dot_general3A_68 : vector<10000x128xf32>
    %get3A_70 = arith.constant 0 : index
    %get3A_71 = arith.constant 0 : index
    %get3A_72 = vector.load %arg12[%get3A_70, %get3A_71] : memref<1x128xf32, #tpu.memory_space<vmem>>, vector<1x128xf32>
    %add3A_73 = vector.broadcast %get3A_72 : vector<1x128xf32> to vector<10000x128xf32>
    %add3A_74 = arith.addf %add3A_69, %add3A_73 : vector<10000x128xf32>
    %mul3A_75 = arith.constant 5.000000e-01 : f32
    %mul3A_76 = vector.broadcast %mul3A_75 : f32 to vector<10000x128xf32>
    %mul3A_77 = arith.mulf %add3A_74, %mul3A_76 : vector<10000x128xf32>
    %mul3A_78 = arith.constant 0.707106769 : f32
    %mul3A_79 = vector.broadcast %mul3A_78 : f32 to vector<10000x128xf32>
    %mul3A_80 = arith.mulf %add3A_74, %mul3A_79 : vector<10000x128xf32>
    %erf3A = math.erf %mul3A_80 : vector<10000x128xf32>
    %add3A_81 = arith.constant 1.000000e+00 : f32
    %add3A_82 = vector.broadcast %add3A_81 : f32 to vector<10000x128xf32>
    %add3A_83 = arith.addf %add3A_82, %erf3A : vector<10000x128xf32>
    %mul3A_84 = arith.mulf %mul3A_77, %add3A_83 : vector<10000x128xf32>
    %slice3A_85 = vector.extract_strided_slice %mul3A_84 {offsets = [0, 0], sizes = [10000, 100], strides = [1, 1]} : vector<10000x128xf32> to vector<10000x100xf32>
    %swap3A = arith.constant 0 : index
    %swap3A_86 = arith.constant 0 : index
    %swap3A_87 = vector.load %arg13[%swap3A, %swap3A_86] : memref<10000x100xf32, #tpu.memory_space<vmem>>, vector<10000x100xf32>
    tpu.vector_store %arg13[%swap3A, %swap3A_86], %slice3A_85 {strides = array<i32>} : memref<10000x100xf32, #tpu.memory_space<vmem>>, vector<10000x100xf32>,
    return
  }
}

</mosaic_0001>

<sc_bundles>
// kernel: kernel.5.cloned.1.call-start
scs
__scs_entry_jumppad:
0x0: {  	(pc) =	sbr.rel $0x88, $3  }
0x1: {  	(tag) =	ssettag $0x0;
	lr =	simm.s32 $0x1  }
0x2: {  	[smem:$0x3F93] =	sst lr;
	_ =	strace $0xD0000000  }
0x3: {  	_ = 	snop  }
0x4: {  	_ = 	snop  }
0x5: {  	_ = 	snop  }
0x6: {  	_ = 	snop  }
0x7: {  	_ = 	snop  }
__scs_overlays_trampoline_lowered:
0x8: {  	[smem:$0x3FA2] =	sst s0  }
0x9: {  	[smem:$0x3FA3] =	sst s1  }
0xa: {  	[smem:$0x3FA4] =	sst s2  }
0xb: {  	[smem:$0x3FA5] =	sst s3  }
0xc: {  	[smem:$0x3FA6] =	sst s4  }
0xd: {  	[smem:$0x3FA7] =	sst s5  }
0xe: {  	[smem:$0x3FA8] =	sst s6  }
0xf: {  	[smem:$0x3FA9] =	sst s7  }
0x10: {  	[smem:$0x3FAA] =	sst s8  }
0x11: {  	[smem:$0x3FAB] =	sst s9;
	s0 =	simm.s32 @!p0 $0x0  }
0x12: {  	s1 =	sld [smem:$0x3F91];
	s0 =	simm.s32 @p0 $0x1  }
0x13: {  	[smem:$0x3FAC] =	sst s0;
	s0 =	simm.s32 @!p1 $0x0  }
0x14: {  	s2 =	sld [smem:$0x3F90];
	s0 =	simm.s32 @p1 $0x1  }
0x15: {  	[smem:$0x3FAD] =	sst s0;
	s0 =	simm.s32 @!p2 $0x0  }
0x16: {  	s3 =	sld [smem:$0x3FDB];
	s0 =	simm.s32 @p2 $0x1  }
0x17: {  	s4 =	simm.s32 $0x1BF5;
	[smem:$0x3FAF] =	sst s0  }
0x18: {  	s0 =	sld [smem:$0x3F92];
	_ =	swait.ge [sflag:s4], $0x0  }
0x19: {  	s7 =	sld [smem:$0x3F93]  }
0x1a: {  	s8 =	sadd.s32 $0xFFFFE003, lr  }
0x1b: {  	s9 =	sadd.s32 $0xFFFFFEF7, lr;
	s5 =	simm.s32 $0xFFFFFFFF;
	p2 =	slt.u32 s8, $0xFFFFF086  }
0x1c: {  	p1 =	slt.u32 s9, $0xF7A;
	s5 =	simm.s32 @!p2 $0x0  }
0x1d: {  	s5 =	simm.s32 @p1 $0x1;
	p0 =	seq.s32 s7, s2  }
0x1e: {  	s7 =	smul.u32 @!p0 $0xF7A, s2;
	p2 =	seq.s32 @!p0 s5, $0x0  }
0x1f: {  	s9 =	smul.u32 $0xF7A, s1;
	s8 =	simm.s32 @!p0 $0x1BF5;
	p2 =	por !p2, p0  }
0x20: {  	[sflag:s8] =	ssyncset.s32 @!p0 $0xFFFFF086;
	s6 =	sadd.s32 @!p0 s3, s7;
	s7 =	simm.s32 @!p0 $0x108  }
0x21: {  	s3 =	sadd.s32 s3, s9;
	s6 =	sadd.s32 @!p0 $0x88, s6;
	s7 =	simm.s32 @p2 $0x1082  }
0x22: {  	[simem:s7], [sflag:s8] =	dma.local @!p0 [hbm:s6], $0xF7A  }
0x23: {  	s9 =	sor.u32 $0xD0000000, s2;
	s6 =	simm.s32 $0x108;
	_ =	swait.ge @!p0 [sflag:s8], $0x0  }
0x24: {  	s3 =	sadd.s32 $0x88, s3;
	s6 =	simm.s32 @!p1 $0x1082;
	[sflag:s4] =	ssyncset.s32 $0xFFFFF086  }
0x25: {  	[simem:s6], [sflag:s4] =	dma.local [hbm:s3], $0xF7A  }
0x26: {  	[smem:$0x3F93] =	sst s1;
	(tag) =	ssettag s2;
	_ =	strace s9  }
0x27: {  	s1 =	sld [smem:$0x3FA3]  }
0x28: {  	s2 =	sld [smem:$0x3FA4]  }
0x29: {  	s4 =	sld [smem:$0x3FA6]  }
0x2a: {  	p0 =	seq.s32 s5, $0x0;
	s5 =	sld [smem:$0x3FA7]  }
0x2b: {  	s6 =	sld [smem:$0x3FA8]  }
0x2c: {  	s7 =	sld [smem:$0x3FA9]  }
0x2d: {  	s3 =	simm.s32 $0x108;
	s8 =	sld [smem:$0x3FAA]  }
0x2e: {  	s3 =	simm.s32 @!p0 $0x1082;
	s9 =	sld [smem:$0x3FAB]  }
0x2f: {  	lr =	sadd.s32 s0, s3;
	s0 =	sld [smem:$0x3FA2]  }
0x30: {  	s3 =	sld [smem:$0x3FA5]  }
0x31: {  	[smem:$0x3FAE] =	sst s10  }
0x32: {  	s10 =	sld [smem:$0x3FAC];
	_ =	sdelay $0x3  }
0x33: {  	p0 =	seq.s32 s10, $0x1;
	s10 =	sld [smem:$0x3FAE];
	_ =	sdelay $0x3  }
0x34: {  	[smem:$0x3FAE] =	sst s10  }
0x35: {  	s10 =	sld [smem:$0x3FAD];
	_ =	sdelay $0x3  }
0x36: {  	p1 =	seq.s32 s10, $0x1;
	s10 =	sld [smem:$0x3FAE];
	_ =	sdelay $0x3  }
0x37: {  	[smem:$0x3FAE] =	sst s10  }
0x38: {  	s10 =	sld [smem:$0x3FAF]  }
0x39: {  	_ = 	snop;
	(pc) =	sbr.ind lr, $3  }
0x3a: {  	_ = 	snop  }
0x3b: {  	_ = 	snop  }
0x3c: {  	p2 =	seq.s32 s10, $0x1;
	s10 =	sld [smem:$0x3FAE]  }
0x3d: {  	_ =	shalt  }
0x3e: {  	_ =	shalt  }
0x3f: {  	_ =	shalt  }
0x40: {  	_ =	shalt  }
0x41: {  	_ =	shalt  }
0x42: {  	_ =	shalt  }
0x43: {  	_ =	shalt  }
0x44: {  	_ =	shalt  }
0x45: {  	_ =	shalt  }
0x46: {  	_ =	shalt  }
0x47: {  	_ =	shalt  }
0x48: {  	_ =	shalt  }
0x49: {  	_ =	shalt  }
0x4a: {  	_ =	shalt  }
0x4b: {  	_ =	shalt  }
0x4c: {  	_ =	shalt  }
0x4d: {  	_ =	shalt  }
0x4e: {  	_ =	shalt  }
0x4f: {  	_ =	shalt  }
0x50: {  	_ =	shalt  }
0x51: {  	_ =	shalt  }
0x52: {  	_ =	shalt  }
0x53: {  	_ =	shalt  }
0x54: {  	_ =	shalt  }
0x55: {  	_ =	shalt  }
0x56: {  	_ =	shalt  }
0x57: {  	_ =	shalt  }
0x58: {  	_ =	shalt  }
0x59: {  	_ =	shalt  }
0x5a: {  	_ =	shalt  }
0x5b: {  	_ =	shalt  }
0x5c: {  	_ =	shalt  }
0x5d: {  	_ =	shalt  }
0x5e: {  	_ =	shalt  }
0x5f: {  	_ =	shalt  }
0x60: {  	_ =	shalt  }
0x61: {  	_ =	shalt  }
0x62: {  	_ =	shalt  }
0x63: {  	_ =	shalt  }
0x64: {  	_ =	shalt  }
0x65: {  	_ =	shalt  }
0x66: {  	_ =	shalt  }
0x67: {  	_ =	shalt  }
0x68: {  	_ =	shalt  }
0x69: {  	_ =	shalt  }
0x6a: {  	_ =	shalt  }
0x6b: {  	_ =	shalt  }
0x6c: {  	_ =	shalt  }
0x6d: {  	_ =	shalt  }
0x6e: {  	_ =	shalt  }
0x6f: {  	_ =	shalt  }
0x70: {  	_ =	shalt  }
0x71: {  	_ =	shalt  }
0x72: {  	_ =	shalt  }
0x73: {  	_ =	shalt  }
0x74: {  	_ =	shalt  }
0x75: {  	_ =	shalt  }
0x76: {  	_ =	shalt  }
0x77: {  	_ =	shalt  }
0x78: {  	_ =	shalt  }
0x79: {  	_ =	shalt  }
0x7a: {  	_ =	shalt  }
0x7b: {  	_ =	shalt  }
0x7c: {  	_ =	shalt  }
0x7d: {  	_ =	shalt  }
0x7e: {  	_ =	shalt  }
0x7f: {  	_ =	shalt  }
0x80: {  	_ =	shalt  }
0x81: {  	_ =	shalt  }
0x82: {  	_ =	shalt  }
0x83: {  	_ =	shalt  }
0x84: {  	_ =	shalt  }
0x85: {  	_ =	shalt  }
0x86: {  	_ =	shalt  }
0x87: {  	_ =	shalt  }
.Lfunc_end0:
.L_simem_size_0:
called_computation_lowered:
.L_overlay_start_0:
0x88: {  	s2 =	sld [smem:$0x3FD9]  }
0x89: {  	s3 =	sld [smem:$0x3FFE];
	_ =	sdelay $0x1  }
0x8a: {  	s1 =	srdreg.scid  }
0x8b: {  	s0 =	sand.u32 $0x1, s1  }
0x8c: {  	s17 =	sshll.u32 s0, $0xA;
	s2 =	sadd.s32 s3, s2  }
0x8d: {  	s2 =	sadd.s32 s2, s17  }
0x8e: {  	[smem:$0x3FBA] =	sst s2  }
0x8f: {  	_ = 	snop  }
0x90: {  	s2 =	sld [smem:$0x3FD0];
	(tm) =	ssettm $0x1  }
0x91: {  	s18 =	sld [smem:$0x3FFB];
	_ =	sdelay $0x3  }
0x92: {  	_ =	strace s18  }
0x93: {  	s3 =	sld [smem:$0x3FFC];
	_ =	sdelay $0x3  }
0x94: {  	_ =	strace s3  }
0x95: {  	s3 =	sld [smem:$0x3FFD];
	_ =	sdelay $0x3  }
0x96: {  	_ =	strace s3  }
0x97: {  	_ =	strace $0x8FFFFFFF  }
0x98: {  	s19 =	sld [smem:$0x3FDB];
	_ =	sdelay $0x1  }
0x99: {  	s4 =	simm.s32 $_scs_section_size  }
0x9a: {  	s5 =	simm.s32 $_size__tile_overlayer_lowered;
	s6 =	simm.s32 $_tile_overlayer_lowered  }
0x9b: {  	s22 =	simm.s32 $0x1BFF;
	s21 =	sshll.u32 s6, $0x1;
	s3 =	sadd.s32 s4, s19  }
0x9c: {  	s7 =	simm.s32 $0x0;
	s20 =	sshll.u32 s5, $0x1;
	s5 =	sadd.s32 s21, s3  }
0x9d: {  	[timem:s7], [sflag:s22] =	dma.local [hbm:s5], s20  }
0x9e: {  	_ =	swait.ge [sflag:s22], s20  }
0x9f: {  	s4 =	ssub.s32 $0x0, s20;
	[sflag:s22] =	ssyncset.done $0x0  }
0xa0: {  	[sflag:s22] =	ssyncadd.s32 s4;
	_ =	sdelay $0x1  }
0xa1: {  	s23 =	simm.s32 $0x1B8B  }
0xa2: {  	_ =	swait.ge [sflag:s23], $0x1  }
0xa3: {  	[sflag:s23] =	ssyncset.done $0x0  }
0xa4: {  	s25 =	simm.s32 $0x1B8E;
	s24 =	sld [smem:$0x3FFE];
	[sflag:s23] =	ssyncadd.s32 $0xFFFFFFFF  }
0xa5: {  	s26 =	simm.s32 $execute0_lowered;
	[smem:$0x3FD2] =	sst s25  }
0xa6: {  	s5 =	sshll.u32 s26, $0x1;
	_ =	strace $0x80000046;
	[dreg:$0x1] =	wrdreg $0xFFFFFFFF  }
0xa7: {  	s28 =	simm.s32 $_size_execute0_lowered;
	s3 =	sadd.s32 s3, s5;
	[dreg:$0x0] =	wrdreg $0x0  }
0xa8: {  	s5 =	sshll.u32 s28, $0x1;
	[dreg:$0x2] =	wrdreg s3  }
0xa9: {  	[dreg:$0x3] =	wrdreg s5  }
0xaa: {  	[dreg:$0x4] =	wrdreg $0xC0  }
0xab: {  	_ =	task [dreg:s7], $0x5FFFF  }
0xac: {  	[dreg:$0x1] =	wrdreg $0xFFFFFFFF  }
0xad: {  	[dreg:$0x0] =	wrdreg $0x60  }
0xae: {  	[dreg:$0x2] =	wrdreg s24  }
0xaf: {  	[dreg:$0x3] =	wrdreg s2  }
0xb0: {  	[dreg:$0x4] =	wrdreg $0xB5400  }
0xb1: {  	[dreg:$0x5] =	wrdreg $0x9  }
0xb2: {  	_ =	task.clear_ibuf [dreg:s7], $0x6FFFF;
	_ =	strace $0x90000046  }
0xb3: {  	s29 =	simm.s32 $0x9;
	_ =	strace $0x80000048  }
0xb4: {  	_ =	swait.ge [sflag:s29], $0x1  }
0xb5: {  	[sflag:s29] =	ssyncadd.s32 $0xFFFFFFFF  }
0xb6: {  	_ =	strace $0x90000048  }
0xb7: {  	_ =	sfence  }
0xb8: {  	s30 =	sld [smem:$0x0];
	_ =	sdelay $0x2  }
0xb9: {  	s31 =	sshll.u32 s1, $0xD;
	s1 =	sshrl.u32 s1, $0x2  }
0xba: {  	s3 =	sand.u32 $0x4000, s31;
	s1 =	sadd.s32 s1, s30  }
0xbb: {  	s0 =	sor.u32 s3, s0;
	s1 =	sshll.u32 s1, $0x11  }
0xbc: {  	s0 =	sor.u32 s1, s0  }
0xbd: {  	s0 =	sadd.s32 $0x8F2B, s0  }
0xbe: {  	[sflag:s0] =	ssyncadd.remote.s32 $0x1  }
0xbf: {  	_ =	sfence.sel $0xFFFF  }
0xc0: {  	[dreg:$0x0] =	wrdreg $0xFFFFFFFF;
	(pc) =	sbr.abs _section_cstart, $3  }
0xc1: {  	[dreg:$0x1] =	wrdreg $0xFFFFFFFF  }
0xc2: {  	_ =	task.clear_ibuf [dreg:s7], $0x2FFFF;
	_ =	strace $0x9FFFFFFF  }
0xc3: {  	(tm) =	ssettm $0x7FFFFFFF  }
tec
execute0_lowered:
.L_overlay_start_1:
0x0: {  	(tag) =	ssettag $0x1  }
0x1: {  	s0 =	rddreg [dreg:$0x0]  }
0x2: {  	s2 =	rddreg [dreg:$0x1];
	s1 =	srdreg.scid  }
0x3: {  	s11 =	stileid.u32;
	s3 =	rddreg [dreg:$0x2]  }
0x4: {  	s4 =	simm.s32 $0x0;
	s28 =	simm.s32 $0xC8;
	s5 =	smul.u32 $0x2300, s11  }
0x5: {  	s29 =	simm.s32 $0x3E8;
	s30 =	simm.s32 $0x5DC0;
	s7 =	smul.u32 $0x46000, s11  }
0x6: {  	s1 =	sand.u32 $0x1, s1;
	s23 =	sshll.u32 s11, $0x1;
	s11 =	smul.u32 $0x4E20, s11  }
0x7: {  	s31 =	simm.s32 $0x190;
	[smem:$0x7FF] =	sst s4;
	s6 =	smul.u32 $0x23000, s1  }
0x8: {  	_ =	strace $0x80000047;
	s8 =	ssub.s32 $0x2, s1;
	s7 =	sshrl.u32 s7, $0x2  }
0x9: {  	s9 =	sshrl.u32 s8, $0x1;
	s6 =	sadd.s32 s5, s6;
	s16 =	sadd.s32 s7, s3  }
0xa: {  	s5 =	sadd.s32 $0x2200, s0;
	s24 =	ssub.s32 s8, s9;
	s25 =	sadd.s32 $0x4600, s16  }
0xb: {  	s0 =	sadd.s32 s6, s0;
	s26 =	sadd.s32 $0x8C00, s16;
	[dreg:$0x6] =	wrdreg s25  }
0xc: {  	s6 =	sor.u32 s1, s23;
	s9 =	sadd.s32 $0xD200, s16;
	[dreg:$0x7] =	wrdreg s26  }
0xd: {  	s1 =	smul.u32 $0x2710, s1;
	s21 =	smax.u32 s24, $0x1;
	[dreg:$0x8] =	wrdreg s9  }
0xe: {  	s6 =	smul.u32 $0x2710, s6;
	s0 =	sadd.s32 $0x24600, s0;
	[dreg:$0x12] =	wrdreg s21  }
0xf: {  	[dreg:$0x11] =	wrdreg s0;
	s22 =	sadd.s32 s1, s11;
	s0 =	simm.s32 $0x258  }
0x10: {  	s11 =	simm.s32 $0x2;
	s10 =	sshrl.u32 s6, $0x3;
	s12 =	sadd.s32 $0x4E2C8, s6  }
0x11: {  	s13 =	sadd.s32 $0xC8, s6;
	s15 =	sadd.s32 $0x4E458, s6;
	s18 =	sadd.s32 $0x258, s6  }
0x12: {  	s19 =	sadd.s32 $0x4B0, s6;
	s6 =	sadd.s32 $0x578, s6;
	s1 =	sadd.s32 $0x4E5E8, s22  }
0x13: {  	s23 =	sadd.s32 $0x3E8, s22;
	s24 =	sadd.s32 $0x4E520, s22;
	[dreg:$0x4] =	wrdreg s19  }
0x14: {  	s10 =	sadd.s32 s2, s10;
	s9 =	sshrl.u32 s12, $0x3;
	[dreg:$0x5] =	wrdreg s6  }
0x15: {  	s8 =	sshrl.u32 s13, $0x3;
	s12 =	sadd.s32 $0x9C40, s10;
	[dreg:$0x9] =	wrdreg s10  }
0x16: {  	s1 =	sshrl.u32 s1, $0x3;
	s9 =	sadd.s32 s2, s9;
	[dreg:$0xa] =	wrdreg s12  }
0x17: {  	s6 =	sshrl.u32 s23, $0x3;
	s8 =	sadd.s32 s2, s8;
	[dreg:$0xb] =	wrdreg s9  }
0x18: {  	s7 =	sshrl.u32 s24, $0x3;
	s14 =	sadd.s32 $0x9C72, s10;
	[dreg:$0xc] =	wrdreg s8  }
0x19: {  	s23 =	sadd.s32 $0x320, s22;
	s17 =	sadd.s32 $0x32, s10;
	[dreg:$0xd] =	wrdreg s14  }
0x1a: {  	s24 =	simm.s32 $0x640;
	s1 =	sadd.s32 s1, s2;
	[dreg:$0xe] =	wrdreg s17  }
0x1b: {  	s13 =	simm.s32 $0x3;
	s25 =	sadd.s32 s6, s2;
	[dreg:$0x13] =	wrdreg s1  }
0x1c: {  	s26 =	sadd.s32 s7, s2;
	s7 =	simm.s32 $0x578;
	[dreg:$0x14] =	wrdreg s25  }
0x1d: {  	s8 =	sshrl.u32 s15, $0x3;
	s9 =	sshrl.u32 s18, $0x3;
	[dreg:$0x15] =	wrdreg s26  }
0x1e: {  	s25 =	simm.s32 $0x7;
	s26 =	simm.s32 $0x320;
	s1 =	simm.s32 $0x4B0  }
0x1f: {  	s12 =	simm.s32 $0x6;
	s14 =	simm.s32 $0x4;
	s8 =	sadd.s32 s2, s8  }
0x20: {  	s15 =	simm.s32 $0x0;
	s20 =	sadd.s32 s2, s9;
	[dreg:$0xf] =	wrdreg s8  }
0x21: {  	v0 =	vimm.f32 $0.0e+00;
	s9 =	simm.s32 $0x5;
	[dreg:$0x10] =	wrdreg s20;
	s8 =	simm.s32 $0x1  }
.LBB2_1:
0x22: {  	s6 =	simm.s32 $0x0;
	s10 =	simm.s32 $0x1C0  }
.LBB2_2:
0x23: {  	p0 =	sne.s32 s10, $0x11640;
	[tilespmem:s6+$0x6A0] =	vst v0  }
0x24: {  	[tilespmem:s6+$0x640] =	vst v0  }
.Ltmp0:
0x25: {  	[tilespmem:s6+$0x650] =	vst v0;
	(pc) =	sbr.rel @p0 .LBB2_2-.Ltmp0, $4  }
0x26: {  	[tilespmem:s6+$0x660] =	vst v0  }
0x27: {  	[tilespmem:s6+$0x670] =	vst v0  }
0x28: {  	[tilespmem:s6+$0x680] =	vst v0  }
0x29: {  	[tilespmem:s6+$0x690] =	vst v0;
	s6 =	sshra.s32 s10, $0x2;
	s10 =	sadd.s32 $0x1C0, s10  }
0x2a: {  	[tilespmem:s6+$0x6A0] =	vst v0  }
0x2b: {  	[tilespmem:s6+$0x640] =	vst v0  }
0x2c: {  	[tilespmem:s6+$0x650] =	vst v0  }
0x2d: {  	[tilespmem:s6+$0x660] =	vst v0  }
0x2e: {  	[tilespmem:s6+$0x670] =	vst v0  }
0x2f: {  	[tilespmem:s6+$0x680] =	vst v0  }
0x30: {  	[tilespmem:s6+$0x690] =	vst v0  }
0x31: {  	[spmem:s16] =	stream.linear.scatter [tilespmem:s24], [sflag:$0x7], $0x4600, $0x38;
	[tilespmem:$0x1CD40] =	vst v63  }
0x32: {  	_ =	swait.ge [sflag:s25], $0x4600  }
0x33: {  	[sflag:s25] =	ssyncset.done $0x0  }
0x34: {  	s17 =	rddreg [dreg:$0x6];
	[sflag:s25] =	ssyncadd.s32 $0xFFFFBA00  }
0x35: {  	[spmem:s17] =	stream.linear.scatter [tilespmem:s24], [sflag:$0x7], $0x4600, $0x38;
	[tilespmem:$0x1CD40] =	vst v63  }
0x36: {  	_ =	swait.ge [sflag:s25], $0x4600  }
0x37: {  	[sflag:s25] =	ssyncset.done $0x0  }
0x38: {  	s18 =	rddreg [dreg:$0x7];
	[sflag:s25] =	ssyncadd.s32 $0xFFFFBA00  }
0x39: {  	[spmem:s18] =	stream.linear.scatter [tilespmem:s24], [sflag:$0x7], $0x4600, $0x38;
	[tilespmem:$0x1CD40] =	vst v63  }
0x3a: {  	_ =	swait.ge [sflag:s25], $0x4600  }
0x3b: {  	[sflag:s25] =	ssyncset.done $0x0  }
0x3c: {  	s19 =	rddreg [dreg:$0x8];
	[sflag:s25] =	ssyncadd.s32 $0xFFFFBA00  }
0x3d: {  	[spmem:s19] =	stream.linear.scatter [tilespmem:s24], [sflag:$0x7], $0x4600, $0x38;
	[tilespmem:$0x1CD40] =	vst v63  }
0x3e: {  	_ =	swait.ge [sflag:s25], $0x4600  }
0x3f: {  	[sflag:s25] =	ssyncset.done $0x0  }
0x40: {  	[sflag:s25] =	ssyncadd.s32 $0xFFFFBA00  }
0x41: {  	[bflag:$0x0] =	sbarrier.arrive $0xFFFF  }
0x42: {  	s6 =	simm.s32 $0x0;
	s10 =	rddreg [dreg:$0xa]  }
0x43: {  	[tilespmem:s6], [sflag:$0x7] =	stream.linear.gather [hbm4b:s10+s6], $0xC8, $0x38;
	[tilespmem:$0x1CD40] =	vst v63  }
0x44: {  	_ =	swait.ge [sflag:s25], $0xC8  }
0x45: {  	[sflag:s25] =	ssyncset.done $0x0  }
0x46: {  	s20 =	rddreg [dreg:$0x9];
	[sflag:s25] =	ssyncadd.s32 $0xFFFFFF38  }
0x47: {  	[tilespmem:s26], [sflag:$0x7] =	stream.linear.gather [hbm4b:s20+s6], $0xC8, $0x38;
	[tilespmem:$0x1CD40] =	vst v63  }
0x48: {  	_ =	swait.ge [sflag:s25], $0xC8  }
0x49: {  	[sflag:s25] =	ssyncset.done $0x0  }
0x4a: {  	s21 =	rddreg [dreg:$0xb];
	[sflag:s25] =	ssyncadd.s32 $0xFFFFFF38  }
0x4b: {  	[tilespmem:s28], [sflag:$0x7] =	stream.linear.gather [hbm4b:s21+s6], $0xC8, $0x38;
	[tilespmem:$0x1CD40] =	vst v63  }
0x4c: {  	_ =	swait.ge [sflag:s25], $0xC8  }
0x4d: {  	[sflag:s25] =	ssyncset.done $0x0  }
0x4e: {  	s22 =	smov.u32 s16;
	s16 =	rddreg [dreg:$0xc];
	[sflag:s25] =	ssyncadd.s32 $0xFFFFFF38  }
0x4f: {  	[tilespmem:s29], [sflag:$0x7] =	stream.linear.gather [hbm4b:s16+s6], $0xC8, $0x38;
	[tilespmem:$0x1CD40] =	vst v63  }
0x50: {  	_ =	swait.ge [sflag:s25], $0xC8  }
0x51: {  	[sflag:s25] =	ssyncset.done $0x0  }
0x52: {  	[sflag:s25] =	ssyncadd.s32 $0xFFFFFF38  }
0x53: {  	[tilespmem:s24], [sflag:$0x1] =	stream.indirect.gather [hbm4b:s5+s28], $0x70, s6, s28, $0xb8;
	[tilespmem:$0x1CD40] =	vst v63  }
0x54: {  	_ = 	snop  }
0x55: {  	[tilespmem:s30], [sflag:$0x2] =	stream.indirect.gather [hbm4b:s5+s28], $0x70, s28, s28, $0xb8;
	[tilespmem:$0x1CD40] =	vst v63  }
0x56: {  	s17 =	rddreg [dreg:$0xd]  }
0x57: {  	[tilespmem:s31], [sflag:$0x5] =	stream.linear.gather [hbm4b:s17+s6], $0xC8, $0x38;
	[tilespmem:$0x1CD40] =	vst v63  }
0x58: {  	s18 =	rddreg [dreg:$0xe]  }
0x59: {  	[tilespmem:s1], [sflag:$0x5] =	stream.linear.gather [hbm4b:s18+s6], $0xC8, $0x38;
	[tilespmem:$0x1CD40] =	vst v63  }
0x5a: {  	s19 =	rddreg [dreg:$0xf]  }
0x5b: {  	[tilespmem:s0], [sflag:$0x6] =	stream.linear.gather [hbm4b:s19+s6], $0xC8, $0x38;
	[tilespmem:$0x1CD40] =	vst v63  }
0x5c: {  	s20 =	rddreg [dreg:$0x10]  }
0x5d: {  	[tilespmem:s7], [sflag:$0x6] =	stream.linear.gather [hbm4b:s20+s6], $0xC8, $0x38;
	[tilespmem:$0x1CD40] =	vst v63  }
0x5e: {  	_ =	swait.ge [sflag:s8], $0x5780  }
0x5f: {  	[sflag:s8] =	ssyncset.done $0x0  }
0x60: {  	[sflag:s8] =	ssyncadd.s32 $0xFFFFA880  }
0x61: {  	[spmem:s3] =	stream.indirect.scatter.add.f32 [tilespmem:s24], [sflag:$0x7], $0x70, s26, s28, $0xb8;
	[tilespmem:$0x1CD40] =	vst v63  }
0x62: {  	_ =	swait.ge [sflag:s25], $0x5780  }
0x63: {  	[sflag:s25] =	ssyncset.done $0x0  }
0x64: {  	s21 =	sshrl.u32 s23, $0x3;
	s17 =	rddreg [dreg:$0x15];
	[sflag:s25] =	ssyncadd.s32 $0xFFFFA880  }
0x65: {  	[tilespmem:s4], [sflag:$0x3] =	stream.linear.gather [hbm4b:s17+s4], $0xC8, $0x38;
	[tilespmem:$0x1CD40] =	vst v63  }
0x66: {  	s10 =	sadd.s32 s2, s21  }
0x67: {  	[tilespmem:s26], [sflag:$0x3] =	stream.linear.gather [hbm4b:s10+s4], $0xC8, $0x38;
	[tilespmem:$0x1CD40] =	vst v63  }
0x68: {  	_ =	swait.ge [sflag:s9], $0xC8  }
0x69: {  	[sflag:s9] =	ssyncset.done $0x0  }
0x6a: {  	[sflag:s9] =	ssyncadd.s32 $0xFFFFFF38  }
0x6b: {  	_ =	swait.ge [sflag:s9], $0xC8  }
0x6c: {  	[sflag:s9] =	ssyncset.done $0x0  }
0x6d: {  	[sflag:s9] =	ssyncadd.s32 $0xFFFFFF38  }
0x6e: {  	[tilespmem:s24], [sflag:$0x1] =	stream.indirect.gather [hbm4b:s5+s28], $0x70, s31, s28, $0xb8;
	[tilespmem:$0x1CD40] =	vst v63  }
0x6f: {  	_ =	swait.ge [sflag:s11], $0x5780  }
0x70: {  	[sflag:s11] =	ssyncset.done $0x0  }
0x71: {  	[sflag:s11] =	ssyncadd.s32 $0xFFFFA880  }
0x72: {  	[spmem:s3] =	stream.indirect.scatter.add.f32 [tilespmem:s30], [sflag:$0x7], $0x70, s29, s28, $0xb8;
	[tilespmem:$0x1CD40] =	vst v63  }
0x73: {  	_ =	swait.ge [sflag:s25], $0x5780  }
0x74: {  	[sflag:s25] =	ssyncset.done $0x0  }
0x75: {  	s19 =	rddreg [dreg:$0x13];
	[sflag:s25] =	ssyncadd.s32 $0xFFFFA880  }
0x76: {  	[tilespmem:s28], [sflag:$0x4] =	stream.linear.gather [hbm4b:s19+s4], $0xC8, $0x38;
	[tilespmem:$0x1CD40] =	vst v63  }
0x77: {  	s20 =	rddreg [dreg:$0x14]  }
0x78: {  	[tilespmem:s29], [sflag:$0x4] =	stream.linear.gather [hbm4b:s20+s4], $0xC8, $0x38;
	[tilespmem:$0x1CD40] =	vst v63  }
0x79: {  	_ =	swait.ge [sflag:s12], $0xC8  }
0x7a: {  	[sflag:s12] =	ssyncset.done $0x0  }
0x7b: {  	[sflag:s12] =	ssyncadd.s32 $0xFFFFFF38  }
0x7c: {  	_ =	swait.ge [sflag:s12], $0xC8  }
0x7d: {  	[sflag:s12] =	ssyncset.done $0x0  }
0x7e: {  	[sflag:s12] =	ssyncadd.s32 $0xFFFFFF38  }
0x7f: {  	[tilespmem:s30], [sflag:$0x2] =	stream.indirect.gather [hbm4b:s5+s28], $0x70, s0, s28, $0xb8;
	[tilespmem:$0x1CD40] =	vst v63  }
0x80: {  	_ =	swait.ge [sflag:s8], $0x5780  }
0x81: {  	[sflag:s8] =	ssyncset.done $0x0  }
0x82: {  	s16 =	smin.u32 s6, $0x2B;
	[sflag:s8] =	ssyncadd.s32 $0xFFFFA880  }
0x83: {  	[spmem:s3] =	stream.indirect.scatter.add.f32 [tilespmem:s24], [sflag:$0x7], $0x70, s1, s28, $0xb8;
	[tilespmem:$0x1CD40] =	vst v63  }
0x84: {  	s10 =	smul.u32 $0xC8, s16;
	_ =	swait.ge [sflag:s25], $0x5780  }
0x85: {  	s18 =	rddreg [dreg:$0x4]  }
0x86: {  	s10 =	sadd.s32 s10, s18  }
0x87: {  	s10 =	sshrl.u32 s10, $0x3  }
0x88: {  	[sflag:s25] =	ssyncset.done $0x0;
	s10 =	sadd.s32 s2, s10  }
0x89: {  	[sflag:s25] =	ssyncadd.s32 $0xFFFFA880;
	s21 =	sadd.s32 $0x9C40, s10  }
0x8a: {  	[tilespmem:s31], [sflag:$0x5] =	stream.linear.gather [hbm4b:s21+s4], $0xC8, $0x38;
	[tilespmem:$0x1CD40] =	vst v63  }
0x8b: {  	_ = 	snop  }
0x8c: {  	[tilespmem:s1], [sflag:$0x5] =	stream.linear.gather [hbm4b:s10+s4], $0xC8, $0x38;
	[tilespmem:$0x1CD40] =	vst v63  }
0x8d: {  	_ =	swait.ge [sflag:s13], $0xC8  }
0x8e: {  	[sflag:s13] =	ssyncset.done $0x0  }
0x8f: {  	[sflag:s13] =	ssyncadd.s32 $0xFFFFFF38  }
0x90: {  	_ =	swait.ge [sflag:s13], $0xC8  }
0x91: {  	[sflag:s13] =	ssyncset.done $0x0  }
0x92: {  	[sflag:s13] =	ssyncadd.s32 $0xFFFFFF38  }
0x93: {  	[tilespmem:s24], [sflag:$0x1] =	stream.indirect.gather [hbm4b:s5+s28], $0x70, s4, s28, $0xb8;
	[tilespmem:$0x1CD40] =	vst v63  }
0x94: {  	_ =	swait.ge [sflag:s11], $0x5780  }
0x95: {  	[sflag:s11] =	ssyncset.done $0x0  }
0x96: {  	s6 =	smin.u32 s6, $0x2A;
	[sflag:s11] =	ssyncadd.s32 $0xFFFFA880  }
0x97: {  	[spmem:s3] =	stream.indirect.scatter.add.f32 [tilespmem:s30], [sflag:$0x7], $0x70, s7, s28, $0xb8;
	[tilespmem:$0x1CD40] =	vst v63  }
0x98: {  	s6 =	smul.u32 $0xC8, s6;
	_ =	swait.ge [sflag:s25], $0x5780  }
0x99: {  	s18 =	rddreg [dreg:$0x5]  }
0x9a: {  	s6 =	sadd.s32 s6, s18  }
0x9b: {  	s6 =	sshrl.u32 s6, $0x3  }
0x9c: {  	[sflag:s25] =	ssyncset.done $0x0;
	s6 =	sadd.s32 s2, s6  }
0x9d: {  	[sflag:s25] =	ssyncadd.s32 $0xFFFFA880;
	s21 =	sadd.s32 $0x9C40, s6  }
0x9e: {  	[tilespmem:s0], [sflag:$0x6] =	stream.linear.gather [hbm4b:s21+s4], $0xC8, $0x38;
	[tilespmem:$0x1CD40] =	vst v63  }
0x9f: {  	_ = 	snop  }
0xa0: {  	[tilespmem:s7], [sflag:$0x6] =	stream.linear.gather [hbm4b:s6+s4], $0xC8, $0x38;
	[tilespmem:$0x1CD40] =	vst v63  }
0xa1: {  	_ =	swait.ge [sflag:s14], $0xC8  }
0xa2: {  	[sflag:s14] =	ssyncset.done $0x0  }
0xa3: {  	[sflag:s14] =	ssyncadd.s32 $0xFFFFFF38  }
0xa4: {  	s17 =	sadd.s32 $0x64, s17;
	_ =	swait.ge [sflag:s14], $0xC8  }
0xa5: {  	s16 =	simm.s32 $0x4;
	s19 =	sadd.s32 $0x64, s19;
	[sflag:s14] =	ssyncset.done $0x0  }
0xa6: {  	s10 =	sadd.s32 $0x64, s20;
	s18 =	sadd.s32 $0x320, s23;
	[sflag:s14] =	ssyncadd.s32 $0xFFFFFF38  }
.LBB2_4:
0xa7: {  	[tilespmem:s30], [sflag:$0x2] =	stream.indirect.gather [hbm4b:s5+s28], $0x70, s28, s28, $0xb8;
	[tilespmem:$0x1CD40] =	vst v63  }
0xa8: {  	_ =	swait.ge [sflag:s8], $0x5780  }
0xa9: {  	[sflag:s8] =	ssyncset.done $0x0  }
0xaa: {  	[sflag:s8] =	ssyncadd.s32 $0xFFFFA880  }
0xab: {  	[spmem:s3] =	stream.indirect.scatter.add.f32 [tilespmem:s24], [sflag:$0x7], $0x70, s26, s28, $0xb8;
	[tilespmem:$0x1CD40] =	vst v63  }
0xac: {  	_ =	swait.ge [sflag:s25], $0x5780  }
0xad: {  	[sflag:s25] =	ssyncset.done $0x0  }
0xae: {  	s20 =	sshrl.u32 s18, $0x3;
	[sflag:s25] =	ssyncadd.s32 $0xFFFFA880  }
0xaf: {  	[tilespmem:s4], [sflag:$0x3] =	stream.linear.gather [hbm4b:s17+s4], $0xC8, $0x38;
	[tilespmem:$0x1CD40] =	vst v63  }
0xb0: {  	s20 =	sadd.s32 s2, s20  }
0xb1: {  	[tilespmem:s26], [sflag:$0x3] =	stream.linear.gather [hbm4b:s20+s4], $0xC8, $0x38;
	[tilespmem:$0x1CD40] =	vst v63  }
0xb2: {  	_ =	swait.ge [sflag:s9], $0xC8  }
0xb3: {  	[sflag:s9] =	ssyncset.done $0x0  }
0xb4: {  	[sflag:s9] =	ssyncadd.s32 $0xFFFFFF38  }
0xb5: {  	_ =	swait.ge [sflag:s9], $0xC8  }
0xb6: {  	[sflag:s9] =	ssyncset.done $0x0  }
0xb7: {  	[sflag:s9] =	ssyncadd.s32 $0xFFFFFF38  }
0xb8: {  	[tilespmem:s24], [sflag:$0x1] =	stream.indirect.gather [hbm4b:s5+s28], $0x70, s31, s28, $0xb8;
	[tilespmem:$0x1CD40] =	vst v63  }
0xb9: {  	_ =	swait.ge [sflag:s11], $0x5780  }
0xba: {  	[sflag:s11] =	ssyncset.done $0x0  }
0xbb: {  	[sflag:s11] =	ssyncadd.s32 $0xFFFFA880  }
0xbc: {  	[spmem:s3] =	stream.indirect.scatter.add.f32 [tilespmem:s30], [sflag:$0x7], $0x70, s29, s28, $0xb8;
	[tilespmem:$0x1CD40] =	vst v63  }
0xbd: {  	_ =	swait.ge [sflag:s25], $0x5780  }
0xbe: {  	[sflag:s25] =	ssyncset.done $0x0  }
0xbf: {  	[sflag:s25] =	ssyncadd.s32 $0xFFFFA880  }
0xc0: {  	[tilespmem:s28], [sflag:$0x4] =	stream.linear.gather [hbm4b:s19+s4], $0xC8, $0x38;
	[tilespmem:$0x1CD40] =	vst v63  }
0xc1: {  	_ = 	snop  }
0xc2: {  	[tilespmem:s29], [sflag:$0x4] =	stream.linear.gather [hbm4b:s10+s4], $0xC8, $0x38;
	[tilespmem:$0x1CD40] =	vst v63  }
0xc3: {  	_ =	swait.ge [sflag:s12], $0xC8  }
0xc4: {  	[sflag:s12] =	ssyncset.done $0x0  }
0xc5: {  	[sflag:s12] =	ssyncadd.s32 $0xFFFFFF38  }
0xc6: {  	_ =	swait.ge [sflag:s12], $0xC8  }
0xc7: {  	[sflag:s12] =	ssyncset.done $0x0  }
0xc8: {  	[sflag:s12] =	ssyncadd.s32 $0xFFFFFF38  }
0xc9: {  	[tilespmem:s30], [sflag:$0x2] =	stream.indirect.gather [hbm4b:s5+s28], $0x70, s0, s28, $0xb8;
	[tilespmem:$0x1CD40] =	vst v63  }
0xca: {  	_ =	swait.ge [sflag:s8], $0x5780  }
0xcb: {  	s6 =	smov.u32 s16;
	[sflag:s8] =	ssyncset.done $0x0  }
0xcc: {  	s20 =	smin.u32 s6, $0x2B;
	[sflag:s8] =	ssyncadd.s32 $0xFFFFA880  }
0xcd: {  	[spmem:s3] =	stream.indirect.scatter.add.f32 [tilespmem:s24], [sflag:$0x7], $0x70, s1, s28, $0xb8;
	[tilespmem:$0x1CD40] =	vst v63  }
0xce: {  	s20 =	smul.u32 $0xC8, s20;
	_ =	swait.ge [sflag:s25], $0x5780  }
0xcf: {  	s21 =	rddreg [dreg:$0x4]  }
0xd0: {  	s20 =	sadd.s32 s20, s21  }
0xd1: {  	s20 =	sshrl.u32 s20, $0x3  }
0xd2: {  	[sflag:s25] =	ssyncset.done $0x0;
	s20 =	sadd.s32 s2, s20  }
0xd3: {  	[sflag:s25] =	ssyncadd.s32 $0xFFFFA880;
	s21 =	sadd.s32 $0x9C40, s20  }
0xd4: {  	[tilespmem:s31], [sflag:$0x5] =	stream.linear.gather [hbm4b:s21+s4], $0xC8, $0x38;
	[tilespmem:$0x1CD40] =	vst v63  }
0xd5: {  	_ = 	snop  }
0xd6: {  	[tilespmem:s1], [sflag:$0x5] =	stream.linear.gather [hbm4b:s20+s4], $0xC8, $0x38;
	[tilespmem:$0x1CD40] =	vst v63  }
0xd7: {  	_ =	swait.ge [sflag:s13], $0xC8  }
0xd8: {  	[sflag:s13] =	ssyncset.done $0x0  }
0xd9: {  	[sflag:s13] =	ssyncadd.s32 $0xFFFFFF38  }
0xda: {  	_ =	swait.ge [sflag:s13], $0xC8  }
0xdb: {  	[sflag:s13] =	ssyncset.done $0x0  }
0xdc: {  	[sflag:s13] =	ssyncadd.s32 $0xFFFFFF38  }
0xdd: {  	[tilespmem:s24], [sflag:$0x1] =	stream.indirect.gather [hbm4b:s5+s28], $0x70, s4, s28, $0xb8;
	[tilespmem:$0x1CD40] =	vst v63  }
0xde: {  	_ =	swait.ge [sflag:s11], $0x5780  }
0xdf: {  	[sflag:s11] =	ssyncset.done $0x0  }
0xe0: {  	s6 =	smin.u32 s6, $0x2A;
	[sflag:s11] =	ssyncadd.s32 $0xFFFFA880  }
0xe1: {  	[spmem:s3] =	stream.indirect.scatter.add.f32 [tilespmem:s30], [sflag:$0x7], $0x70, s7, s28, $0xb8;
	[tilespmem:$0x1CD40] =	vst v63  }
0xe2: {  	s6 =	smul.u32 $0xC8, s6;
	_ =	swait.ge [sflag:s25], $0x5780  }
0xe3: {  	s21 =	rddreg [dreg:$0x5]  }
0xe4: {  	s6 =	sadd.s32 s6, s21  }
0xe5: {  	s6 =	sshrl.u32 s6, $0x3  }
0xe6: {  	[sflag:s25] =	ssyncset.done $0x0;
	s6 =	sadd.s32 s2, s6  }
0xe7: {  	[sflag:s25] =	ssyncadd.s32 $0xFFFFA880;
	s21 =	sadd.s32 $0x9C40, s6  }
0xe8: {  	[tilespmem:s0], [sflag:$0x6] =	stream.linear.gather [hbm4b:s21+s4], $0xC8, $0x38;
	[tilespmem:$0x1CD40] =	vst v63  }
0xe9: {  	_ = 	snop  }
0xea: {  	[tilespmem:s7], [sflag:$0x6] =	stream.linear.gather [hbm4b:s6+s4], $0xC8, $0x38;
	[tilespmem:$0x1CD40] =	vst v63  }
0xeb: {  	p0 =	sne.s32 s16, $0x2C;
	_ =	swait.ge [sflag:s14], $0xC8  }
.Ltmp1:
0xec: {  	[sflag:s14] =	ssyncset.done $0x0;
	(pc) =	sbr.rel @p0 .LBB2_4-.Ltmp1, $4  }
0xed: {  	[sflag:s14] =	ssyncadd.s32 $0xFFFFFF38  }
0xee: {  	s16 =	sadd.s32 $0x4, s16;
	_ =	swait.ge [sflag:s14], $0xC8  }
0xef: {  	s18 =	sadd.s32 $0x320, s18;
	s17 =	sadd.s32 $0x64, s17;
	[sflag:s14] =	ssyncset.done $0x0  }
0xf0: {  	s19 =	sadd.s32 $0x64, s19;
	s10 =	sadd.s32 $0x64, s10;
	[sflag:s14] =	ssyncadd.s32 $0xFFFFFF38  }
0xf1: {  	[tilespmem:s30], [sflag:$0x2] =	stream.indirect.gather [hbm4b:s5+s28], $0x70, s28, s28, $0xb8;
	[tilespmem:$0x1CD40] =	vst v63  }
0xf2: {  	_ =	swait.ge [sflag:s8], $0x5780  }
0xf3: {  	[sflag:s8] =	ssyncset.done $0x0  }
0xf4: {  	[sflag:s8] =	ssyncadd.s32 $0xFFFFA880  }
0xf5: {  	[spmem:s3] =	stream.indirect.scatter.add.f32 [tilespmem:s24], [sflag:$0x7], $0x70, s26, s28, $0xb8;
	[tilespmem:$0x1CD40] =	vst v63  }
0xf6: {  	_ =	swait.ge [sflag:s25], $0x5780  }
0xf7: {  	[sflag:s25] =	ssyncset.done $0x0  }
0xf8: {  	[sflag:s25] =	ssyncadd.s32 $0xFFFFA880  }
0xf9: {  	_ =	swait.ge [sflag:s11], $0x5780  }
0xfa: {  	[sflag:s11] =	ssyncset.done $0x0  }
0xfb: {  	[sflag:s11] =	ssyncadd.s32 $0xFFFFA880  }
0xfc: {  	[spmem:s3] =	stream.indirect.scatter.add.f32 [tilespmem:s30], [sflag:$0x7], $0x70, s29, s28, $0xb8;
	[tilespmem:$0x1CD40] =	vst v63  }
0xfd: {  	_ =	swait.ge [sflag:s25], $0x5780  }
0xfe: {  	[sflag:s25] =	ssyncset.done $0x0  }
0xff: {  	[sflag:s25] =	ssyncadd.s32 $0xFFFFA880  }
0x100: {  	_ =	swait.ge [sflag:s9], $0xC8  }
0x101: {  	[sflag:s9] =	ssyncset.done $0x0  }
0x102: {  	[sflag:s9] =	ssyncadd.s32 $0xFFFFFF38  }
0x103: {  	_ =	swait.ge [sflag:s9], $0xC8  }
0x104: {  	[sflag:s9] =	ssyncset.done $0x0  }
0x105: {  	[sflag:s9] =	ssyncadd.s32 $0xFFFFFF38  }
0x106: {  	_ =	swait.ge [sflag:s12], $0xC8  }
0x107: {  	[sflag:s12] =	ssyncset.done $0x0  }
0x108: {  	[sflag:s12] =	ssyncadd.s32 $0xFFFFFF38  }
0x109: {  	_ =	swait.ge [sflag:s12], $0xC8  }
0x10a: {  	[sflag:s12] =	ssyncset.done $0x0  }
0x10b: {  	s6 =	stileid.u32;
	[sflag:s12] =	ssyncadd.s32 $0xFFFFFF38  }
0x10c: {  	s6 =	sshll.u32 s6, $0x6;
	[bflag:$0x0] =	sbarrier.arrive $0xFFFF  }
0x10d: {  	s10 =	sshrl.u32 s22, $0x3;
	s6 =	sor.u32 $0x1C07, s6;
	s17 =	rddreg [dreg:$0x11]  }
0x10e: {  	[hbm:s17], [sflag:s6] =	dma.local [spmem:s10], $0x2300  }
0x10f: {  	_ =	swait.ge [sflag:s25], $0x2300  }
0x110: {  	s16 =	smov.u32 s22;
	s15 =	sadd.s32 $0x1, s15;
	s22 =	rddreg [dreg:$0x12]  }
0x111: {  	p0 =	sne.s32 s15, s22  }
.Ltmp2:
0x112: {  	_ = 	snop;
	(pc) =	sbr.rel @p0 .LBB2_1-.Ltmp2, $3  }
0x113: {  	_ =	sdelay $0x1  }
0x114: {  	[sflag:s25] =	ssyncset.done $0x0  }
0x115: {  	[sflag:s25] =	ssyncadd.s32 $0xFFFFDD00  }
0x116: {  	_ =	sfence.sel $0x180000  }
0x117: {  	[bflag:$0x0] =	sbarrier.arrive $0xFFFF  }
0x118: {  	_ =	strace $0x90000047  }
0x119: {  	s0 =	stileid.u32;
	[bflag:$0x2] =	sbarrier.arrive $0xFFFF  }
0x11a: {  	p0 =	sne.s32 s0, $0x0;
	s0 =	rddreg [dreg:$0x3]  }
0x11b: {  	s0 =	sadd.s32 @!p0 $0x100000, s0  }
0x11c: {  	[sflag:s0] =	ssyncadd.tile.s32 @!p0 $0x1;
	_ =	shalt  }
.Lfunc_end2:
_tile_overlayer_lowered:
.L_overlay_start_2:
0x11d: {  	(tag) =	ssettag $0x2  }
0x11e: {  	s0 =	rddreg [dreg:$0x0];
	s2 =	stileid.u32  }
0x11f: {  	s1 =	rddreg [dreg:$0x1];
	p0 =	sne.s32 s2, $0x0  }
0x120: {  	s3 =	rddreg [dreg:$0x2];
	[bflag:$0x3] =	sbarrier.arrive $0xFFFF;
	s2 =	simm.s32 @!p0 $0x1C07  }
0x121: {  	[timem:s3], [sflag:s2] =	dma.local @!p0 [hbm:s0], s1  }
0x122: {  	s0 =	simm.s32 @!p0 $0x7  }
0x123: {  	_ =	swait.ge @!p0 [sflag:s0], s1  }
0x124: {  	s1 =	ssub.s32 @!p0 $0x0, s1;
	[sflag:s0] =	ssyncset.done @!p0 $0x0  }
0x125: {  	[sflag:s0] =	ssyncadd.s32 @!p0 s1  }
0x126: {  	[bflag:$0x3] =	sbarrier.arrive $0xFFFF  }
0x127: {  	_ =	shalt  }

</sc_bundles>
